<compile_context>
chip_gen: v7x
topology: tpu7x:2x2x1
jax: 0.10.2.dev20260603
libtpu: 0.0.44.dev20260713+nightly
codegen_flags: <defaults>
</compile_context>

<pallas_src>
import jax
import jax.numpy as jnp
import numpy as np
from jax import lax
from jax.experimental import pallas as pl
from jax.experimental.pallas import tpu as pltpu
from jax.experimental.pallas import tpu_sc as plsc

B, N, D = 32, 4096, 128
NC, NS, L = 2, 16, 16
ROWS_PER_CHUNK = 64
NUM_CHUNKS = N // ROWS_PER_CHUNK
NCHUNK16 = N // L
HIST = 2048
SIGN = np.int32(-2147483648)


def _keys_body(x_ref, keys_ref):
    vt = x_ref[0].T
    acc = vt[0:8, :]
    for k in range(1, D // 8):
        acc = acc + vt[8 * k:8 * (k + 1), :]
    t = acc[0:4, :] + acc[4:8, :]
    t = t[0:2, :] + t[2:4, :]
    keys_ref[0, 0, :] = t[0, :] + t[1, :]


def _sortable(kf):
    s = plsc.bitcast(kf, jnp.int32)
    m = lax.bitwise_or(lax.shift_right_arithmetic(s, 31), SIGN)
    return lax.bitwise_xor(s, m)


def _radix_pass(shift, load_su, load_id, dst_su, dst_id, hist_v):

    @pl.loop(0, HIST // L, unroll=8)
    def _zero(h):
        hist_v[pl.ds(h * L, L)] = jnp.zeros((L,), jnp.int32)

    @pl.loop(0, NCHUNK16, unroll=4)
    def _hist(c):
        d = lax.bitwise_and(lax.shift_right_logical(load_su(c), shift), 2047)
        h0 = plsc.load_gather(hist_v, [d])
        cnt, last = plsc.scan_count(d)
        plsc.store_scatter(hist_v, [d], h0 + cnt, mask=last)

    @pl.loop(0, HIST // L, init_carry=np.int32(0), unroll=2)
    def _prefix(h, carry):
        v = hist_v[pl.ds(h * L, L)]
        cs = plsc.cumsum(v)
        hist_v[pl.ds(h * L, L)] = cs - v + carry
        return carry + jnp.sum(v)

    @pl.loop(0, NCHUNK16, unroll=4)
    def _place(c):
        su = load_su(c)
        iv = load_id(c)
        d = lax.bitwise_and(lax.shift_right_logical(su, shift), 2047)
        off = plsc.load_gather(hist_v, [d])
        cnt, last = plsc.scan_count(d)
        pos = off + cnt - 1
        plsc.store_scatter(dst_su, [pos], su)
        plsc.store_scatter(dst_id, [pos], iv)
        plsc.store_scatter(hist_v, [d], off + cnt, mask=last)


NSLOT = 8
PREFETCH = 4


def _sc_body(x_hbm, keys_hbm, out_hbm,
             kf_v, su_a, id_a, su_b, id_b, hist_v,
             rows0, rows1, rows2, rows3, rows4, rows5, rows6, rows7,
             g0, g1, g2, g3, g4, g5, g6, g7,
             w0, w1, w2, w3, w4, w5, w6, w7):
    w = lax.axis_index("s") * NC + lax.axis_index("c")
    base = w * N

    pltpu.sync_copy(keys_hbm.at[w], kf_v)

    _radix_pass(
        0,
        lambda c: _sortable(kf_v[pl.ds(c * L, L)]),
        lambda c: base + c * L + lax.iota(jnp.int32, L),
        su_b, id_b, hist_v)
    _radix_pass(11,
                lambda c: su_b[pl.ds(c * L, L)],
                lambda c: id_b[pl.ds(c * L, L)],
                su_a, id_a, hist_v)
    _radix_pass(22,
                lambda c: su_a[pl.ds(c * L, L)],
                lambda c: id_a[pl.ds(c * L, L)],
                su_b, id_b, hist_v)

    rows = [rows0, rows1, rows2, rows3, rows4, rows5, rows6, rows7]
    gsem = [g0, g1, g2, g3, g4, g5, g6, g7]
    wsem = [w0, w1, w2, w3, w4, w5, w6, w7]

    def _gather_start(q, j):
        pltpu.async_copy(
            x_hbm.at[id_b.at[pl.ds(q * ROWS_PER_CHUNK, ROWS_PER_CHUNK)]],
            rows[j], gsem[j])

    def _gather_drain(j):
        pltpu.make_async_copy(x_hbm.at[pl.ds(0, ROWS_PER_CHUNK)], rows[j],
                              gsem[j]).wait()

    def _write_start(q, j):
        pltpu.async_copy(
            rows[j], out_hbm.at[pl.ds(base + q * ROWS_PER_CHUNK,
                                      ROWS_PER_CHUNK)], wsem[j])

    def _write_drain(j):
        pltpu.make_async_copy(x_hbm.at[pl.ds(0, ROWS_PER_CHUNK)], rows[j],
                              wsem[j]).wait()

    for k in range(PREFETCH):
        _gather_start(k, k)

    @pl.loop(0, NUM_CHUNKS, step=NSLOT)
    def _g(c):
        for jj in range(NSLOT):
            q = c + jj
            j = jj
            j2 = (jj + PREFETCH) % NSLOT
            _gather_drain(j)
            _write_start(q, j)

            @pl.when(q + PREFETCH < NUM_CHUNKS)
            def _():
                @pl.when(q >= NSLOT - PREFETCH)
                def _():
                    _write_drain(j2)
                _gather_start(q + PREFETCH, j2)

    for k in range(NSLOT):
        _write_drain((NUM_CHUNKS - NSLOT + k) % NSLOT)


@jax.jit
def kernel(x):
    keys = pl.pallas_call(
        _keys_body,
        grid=(B,),
        in_specs=[pl.BlockSpec((1, N, D), lambda b: (b, 0, 0))],
        out_specs=pl.BlockSpec((1, 1, N), lambda b: (b, 0, 0)),
        out_shape=jax.ShapeDtypeStruct((B, 1, N), jnp.float32),
    )(x).reshape(B, N)

    x_flat = x.reshape(B * N, D)
    mesh = plsc.VectorSubcoreMesh(core_axis_name="c", subcore_axis_name="s")
    out_flat = pl.kernel(
        _sc_body,
        out_type=jax.ShapeDtypeStruct((B * N, D), jnp.float32),
        mesh=mesh,
        compiler_params=pltpu.CompilerParams(needs_layout_passes=False),
        scratch_types=[
            pltpu.VMEM((N,), jnp.float32),
            pltpu.VMEM((N,), jnp.int32),
            pltpu.VMEM((N,), jnp.int32),
            pltpu.VMEM((N,), jnp.int32),
            pltpu.VMEM((N,), jnp.int32),
            pltpu.VMEM((HIST,), jnp.int32),
        ] + [pltpu.VMEM((ROWS_PER_CHUNK, D), jnp.float32)] * NSLOT
          + [pltpu.SemaphoreType.DMA] * (2 * NSLOT),
    )(x_flat, keys)
    return out_flat.reshape(B, N, D)

# --- scband reference (transcript-rebuilt; emitter-appended) ---
"""Pipeline reference for scband-canonizetion-41841571397810 (READ-ONLY COPY).

The authoritative reference and input builder live on the scoring server;
editing this copy changes nothing except your own understanding.
"""

import jax, jax.numpy as jnp
import numpy as np


def setup_inputs(seed: int = 0) -> dict:
    key = jax.random.key(seed)
    x = jax.random.normal(key, (32, 4096, 128), dtype=jnp.float32)
    return {"x": x}


def reference(x):
    # Canonize each (n, d) slice: sort rows by their sum.
    keys = x.sum(axis=-1)                      # (B, n)
    idx = jnp.argsort(keys, axis=-1)           # (B, n)
    out = jnp.take_along_axis(x, idx[:, :, None], axis=1)  # (B, n, d)
    return out

if __name__ == "__main__":
    import jax
    _d = setup_inputs()
    print(jax.jit(kernel)(*tuple(_d.values())))

</pallas_src>

<mosaic_0001>
#map = affine_map<(d0, d1) -> (0, 0)>
module attributes {stable_mosaic.version = 14 : i64} {
  func.func @_sc_body(%arg0: i32, %arg1: i32, %arg2: memref<131072x128xf32, #tpu.memory_space<hbm>>, %arg3: memref<32x4096xf32, #tpu.memory_space<hbm>>, %arg4: memref<131072x128xf32, #tpu.memory_space<hbm>>, %arg5: memref<4096xf32, #tpu.memory_space<vmem>>, %arg6: memref<4096xi32, #tpu.memory_space<vmem>>, %arg7: memref<4096xi32, #tpu.memory_space<vmem>>, %arg8: memref<4096xi32, #tpu.memory_space<vmem>>, %arg9: memref<4096xi32, #tpu.memory_space<vmem>>, %arg10: memref<2048xi32, #tpu.memory_space<vmem>>, %arg11: memref<64x128xf32, #tpu.memory_space<vmem>>, %arg12: memref<64x128xf32, #tpu.memory_space<vmem>>, %arg13: memref<64x128xf32, #tpu.memory_space<vmem>>, %arg14: memref<64x128xf32, #tpu.memory_space<vmem>>, %arg15: memref<64x128xf32, #tpu.memory_space<vmem>>, %arg16: memref<64x128xf32, #tpu.memory_space<vmem>>, %arg17: memref<64x128xf32, #tpu.memory_space<vmem>>, %arg18: memref<64x128xf32, #tpu.memory_space<vmem>>, %arg19: memref<!tpu.dma_semaphore, #tpu.memory_space<semaphore_mem>>, %arg20: memref<!tpu.dma_semaphore, #tpu.memory_space<semaphore_mem>>, %arg21: memref<!tpu.dma_semaphore, #tpu.memory_space<semaphore_mem>>, %arg22: memref<!tpu.dma_semaphore, #tpu.memory_space<semaphore_mem>>, %arg23: memref<!tpu.dma_semaphore, #tpu.memory_space<semaphore_mem>>, %arg24: memref<!tpu.dma_semaphore, #tpu.memory_space<semaphore_mem>>, %arg25: memref<!tpu.dma_semaphore, #tpu.memory_space<semaphore_mem>>, %arg26: memref<!tpu.dma_semaphore, #tpu.memory_space<semaphore_mem>>, %arg27: memref<!tpu.dma_semaphore, #tpu.memory_space<semaphore_mem>>, %arg28: memref<!tpu.dma_semaphore, #tpu.memory_space<semaphore_mem>>, %arg29: memref<!tpu.dma_semaphore, #tpu.memory_space<semaphore_mem>>, %arg30: memref<!tpu.dma_semaphore, #tpu.memory_space<semaphore_mem>>, %arg31: memref<!tpu.dma_semaphore, #tpu.memory_space<semaphore_mem>>, %arg32: memref<!tpu.dma_semaphore, #tpu.memory_space<semaphore_mem>>, %arg33: memref<!tpu.dma_semaphore, #tpu.memory_space<semaphore_mem>>, %arg34: memref<!tpu.dma_semaphore, #tpu.memory_space<semaphore_mem>>) attributes {dimension_semantics = [#tpu.dimension_semantics<core_parallel>, #tpu.dimension_semantics<subcore_parallel>], iteration_bounds = array<i64: 2, 16>, scalar_prefetch = 0 : i64, scratch_operands = 30 : i64, tpu.core_type = #tpu.core_type<sc_vector_subcore>, window_params = [{transform_indices = #map}, {transform_indices = #map}, {transform_indices = #map}]} {
    %mul3A = arith.constant 2 : i32
    %mul3A_0 = arith.muli %arg1, %mul3A : i32
    %add3A = arith.addi %mul3A_0, %arg0 : i32
    %mul3A_1 = arith.constant 4096 : i32
    %mul3A_2 = arith.muli %add3A, %mul3A_1 : i32
    "tpu.region"() ({
      %run_scoped3A = tpu.sem_alloc : memref<!tpu.dma_semaphore, #tpu.memory_space<semaphore_mem>>
      %dma_start3A_139 = arith.constant 0 : i32
      %dma_start3A_140 = tpu.memref_slice %arg3[%add3A, %dma_start3A_139] : memref<32x4096xf32, #tpu.memory_space<hbm>> -> memref<1x4096xf32, #tpu.memory_space<hbm>>
      %dma_start3A_141 = tpu.memref_squeeze %dma_start3A_140 : memref<1x4096xf32, #tpu.memory_space<hbm>> -> memref<4096xf32, #tpu.memory_space<hbm>>
      %dma_start3A_142 = arith.constant 0 : i32
      %dma_start3A_143 = tpu.memref_slice %arg3[%add3A, %dma_start3A_142] : memref<32x4096xf32, #tpu.memory_space<hbm>> -> memref<1x4096xf32, #tpu.memory_space<hbm>>
      %dma_start3A_144 = tpu.memref_squeeze %dma_start3A_143 : memref<1x4096xf32, #tpu.memory_space<hbm>> -> memref<4096xf32, #tpu.memory_space<hbm>>
      tpu.enqueue_dma source(%dma_start3A_144 : memref<4096xf32, #tpu.memory_space<hbm>>) target(%arg5 : memref<4096xf32, #tpu.memory_space<vmem>>) target_semaphore(%run_scoped3A : memref<!tpu.dma_semaphore, #tpu.memory_space<semaphore_mem>>)
      %dma_wait3A_145 = arith.constant 0 : i32
      %dma_wait3A_146 = tpu.memref_slice %arg3[%add3A, %dma_wait3A_145] : memref<32x4096xf32, #tpu.memory_space<hbm>> -> memref<1x4096xf32, #tpu.memory_space<hbm>>
      %dma_wait3A_147 = tpu.memref_squeeze %dma_wait3A_146 : memref<1x4096xf32, #tpu.memory_space<hbm>> -> memref<4096xf32, #tpu.memory_space<hbm>>
      %dma_wait3A_148 = arith.constant 0 : i32
      %dma_wait3A_149 = tpu.memref_slice %arg3[%add3A, %dma_wait3A_148] : memref<32x4096xf32, #tpu.memory_space<hbm>> -> memref<1x4096xf32, #tpu.memory_space<hbm>>
      %dma_wait3A_150 = tpu.memref_squeeze %dma_wait3A_149 : memref<1x4096xf32, #tpu.memory_space<hbm>> -> memref<4096xf32, #tpu.memory_space<hbm>>
      tpu.wait_dma2 semaphore(%run_scoped3A : memref<!tpu.dma_semaphore, #tpu.memory_space<semaphore_mem>>) src(%dma_wait3A_150 : memref<4096xf32, #tpu.memory_space<hbm>>) dst(%arg5 : memref<4096xf32, #tpu.memory_space<vmem>>)
      tpu.yield
    }) : () -> ()
    %scan3A = arith.constant 0 : i32
    %scan3A_3 = arith.constant 128 : i32
    %scan3A_4 = arith.addi %scan3A, %scan3A_3 : i32
    %scan3A_5 = arith.constant 8 : i32
    scf.for %scan3A_139 = %scan3A to %scan3A_4 step %scan3A_5  : i32 {
      %mul3A_140 = arith.constant 1 : i32
      %mul3A_141 = arith.muli %scan3A_139, %mul3A_140 : i32
      %add3A_142 = arith.constant 0 : i32
      %add3A_143 = arith.addi %add3A_142, %mul3A_141 : i32
      %broadcast_in_dim3A = arith.constant 0 : i32
      %broadcast_in_dim3A_144 = vector.broadcast %broadcast_in_dim3A : i32 to vector<16xi32>
      %mul3A_145 = arith.constant 16 : i32
      %mul3A_146 = arith.muli %add3A_143, %mul3A_145 : i32
      %swap3A = arith.index_cast %mul3A_146 : i32 to index
      %swap3A_147 = tpu.vector_load %arg10[%swap3A] {strides = array<i32>} : memref<2048xi32, #tpu.memory_space<vmem>>, vector<16xi32>,
      tpu.vector_store %arg10[%swap3A], %broadcast_in_dim3A_144 {strides = array<i32>} : memref<2048xi32, #tpu.memory_space<vmem>>, vector<16xi32>,
      %scan3A_148 = arith.constant 1 : i32
      %scan3A_149 = arith.addi %scan3A_139, %scan3A_148 : i32
      %mul3A_150 = arith.constant 1 : i32
      %mul3A_151 = arith.muli %scan3A_149, %mul3A_150 : i32
      %add3A_152 = arith.constant 0 : i32
      %add3A_153 = arith.addi %add3A_152, %mul3A_151 : i32
      %broadcast_in_dim3A_154 = arith.constant 0 : i32
      %broadcast_in_dim3A_155 = vector.broadcast %broadcast_in_dim3A_154 : i32 to vector<16xi32>
      %mul3A_156 = arith.constant 16 : i32
      %mul3A_157 = arith.muli %add3A_153, %mul3A_156 : i32
      %swap3A_158 = arith.index_cast %mul3A_157 : i32 to index
      %swap3A_159 = tpu.vector_load %arg10[%swap3A_158] {strides = array<i32>} : memref<2048xi32, #tpu.memory_space<vmem>>, vector<16xi32>,
      tpu.vector_store %arg10[%swap3A_158], %broadcast_in_dim3A_155 {strides = array<i32>} : memref<2048xi32, #tpu.memory_space<vmem>>, vector<16xi32>,
      %scan3A_160 = arith.constant 2 : i32
      %scan3A_161 = arith.addi %scan3A_139, %scan3A_160 : i32
      %mul3A_162 = arith.constant 1 : i32
      %mul3A_163 = arith.muli %scan3A_161, %mul3A_162 : i32
      %add3A_164 = arith.constant 0 : i32
      %add3A_165 = arith.addi %add3A_164, %mul3A_163 : i32
      %broadcast_in_dim3A_166 = arith.constant 0 : i32
      %broadcast_in_dim3A_167 = vector.broadcast %broadcast_in_dim3A_166 : i32 to vector<16xi32>
      %mul3A_168 = arith.constant 16 : i32
      %mul3A_169 = arith.muli %add3A_165, %mul3A_168 : i32
      %swap3A_170 = arith.index_cast %mul3A_169 : i32 to index
      %swap3A_171 = tpu.vector_load %arg10[%swap3A_170] {strides = array<i32>} : memref<2048xi32, #tpu.memory_space<vmem>>, vector<16xi32>,
      tpu.vector_store %arg10[%swap3A_170], %broadcast_in_dim3A_167 {strides = array<i32>} : memref<2048xi32, #tpu.memory_space<vmem>>, vector<16xi32>,
      %scan3A_172 = arith.constant 3 : i32
      %scan3A_173 = arith.addi %scan3A_139, %scan3A_172 : i32
      %mul3A_174 = arith.constant 1 : i32
      %mul3A_175 = arith.muli %scan3A_173, %mul3A_174 : i32
      %add3A_176 = arith.constant 0 : i32
      %add3A_177 = arith.addi %add3A_176, %mul3A_175 : i32
      %broadcast_in_dim3A_178 = arith.constant 0 : i32
      %broadcast_in_dim3A_179 = vector.broadcast %broadcast_in_dim3A_178 : i32 to vector<16xi32>
      %mul3A_180 = arith.constant 16 : i32
      %mul3A_181 = arith.muli %add3A_177, %mul3A_180 : i32
      %swap3A_182 = arith.index_cast %mul3A_181 : i32 to index
      %swap3A_183 = tpu.vector_load %arg10[%swap3A_182] {strides = array<i32>} : memref<2048xi32, #tpu.memory_space<vmem>>, vector<16xi32>,
      tpu.vector_store %arg10[%swap3A_182], %broadcast_in_dim3A_179 {strides = array<i32>} : memref<2048xi32, #tpu.memory_space<vmem>>, vector<16xi32>,
      %scan3A_184 = arith.constant 4 : i32
      %scan3A_185 = arith.addi %scan3A_139, %scan3A_184 : i32
      %mul3A_186 = arith.constant 1 : i32
      %mul3A_187 = arith.muli %scan3A_185, %mul3A_186 : i32
      %add3A_188 = arith.constant 0 : i32
      %add3A_189 = arith.addi %add3A_188, %mul3A_187 : i32
      %broadcast_in_dim3A_190 = arith.constant 0 : i32
      %broadcast_in_dim3A_191 = vector.broadcast %broadcast_in_dim3A_190 : i32 to vector<16xi32>
      %mul3A_192 = arith.constant 16 : i32
      %mul3A_193 = arith.muli %add3A_189, %mul3A_192 : i32
      %swap3A_194 = arith.index_cast %mul3A_193 : i32 to index
      %swap3A_195 = tpu.vector_load %arg10[%swap3A_194] {strides = array<i32>} : memref<2048xi32, #tpu.memory_space<vmem>>, vector<16xi32>,
      tpu.vector_store %arg10[%swap3A_194], %broadcast_in_dim3A_191 {strides = array<i32>} : memref<2048xi32, #tpu.memory_space<vmem>>, vector<16xi32>,
      %scan3A_196 = arith.constant 5 : i32
      %scan3A_197 = arith.addi %scan3A_139, %scan3A_196 : i32
      %mul3A_198 = arith.constant 1 : i32
      %mul3A_199 = arith.muli %scan3A_197, %mul3A_198 : i32
      %add3A_200 = arith.constant 0 : i32
      %add3A_201 = arith.addi %add3A_200, %mul3A_199 : i32
      %broadcast_in_dim3A_202 = arith.constant 0 : i32
      %broadcast_in_dim3A_203 = vector.broadcast %broadcast_in_dim3A_202 : i32 to vector<16xi32>
      %mul3A_204 = arith.constant 16 : i32
      %mul3A_205 = arith.muli %add3A_201, %mul3A_204 : i32
      %swap3A_206 = arith.index_cast %mul3A_205 : i32 to index
      %swap3A_207 = tpu.vector_load %arg10[%swap3A_206] {strides = array<i32>} : memref<2048xi32, #tpu.memory_space<vmem>>, vector<16xi32>,
      tpu.vector_store %arg10[%swap3A_206], %broadcast_in_dim3A_203 {strides = array<i32>} : memref<2048xi32, #tpu.memory_space<vmem>>, vector<16xi32>,
      %scan3A_208 = arith.constant 6 : i32
      %scan3A_209 = arith.addi %scan3A_139, %scan3A_208 : i32
      %mul3A_210 = arith.constant 1 : i32
      %mul3A_211 = arith.muli %scan3A_209, %mul3A_210 : i32
      %add3A_212 = arith.constant 0 : i32
      %add3A_213 = arith.addi %add3A_212, %mul3A_211 : i32
      %broadcast_in_dim3A_214 = arith.constant 0 : i32
      %broadcast_in_dim3A_215 = vector.broadcast %broadcast_in_dim3A_214 : i32 to vector<16xi32>
      %mul3A_216 = arith.constant 16 : i32
      %mul3A_217 = arith.muli %add3A_213, %mul3A_216 : i32
      %swap3A_218 = arith.index_cast %mul3A_217 : i32 to index
      %swap3A_219 = tpu.vector_load %arg10[%swap3A_218] {strides = array<i32>} : memref<2048xi32, #tpu.memory_space<vmem>>, vector<16xi32>,
      tpu.vector_store %arg10[%swap3A_218], %broadcast_in_dim3A_215 {strides = array<i32>} : memref<2048xi32, #tpu.memory_space<vmem>>, vector<16xi32>,
      %scan3A_220 = arith.constant 7 : i32
      %scan3A_221 = arith.addi %scan3A_139, %scan3A_220 : i32
      %mul3A_222 = arith.constant 1 : i32
      %mul3A_223 = arith.muli %scan3A_221, %mul3A_222 : i32
      %add3A_224 = arith.constant 0 : i32
      %add3A_225 = arith.addi %add3A_224, %mul3A_223 : i32
      %broadcast_in_dim3A_226 = arith.constant 0 : i32
      %broadcast_in_dim3A_227 = vector.broadcast %broadcast_in_dim3A_226 : i32 to vector<16xi32>
      %mul3A_228 = arith.constant 16 : i32
      %mul3A_229 = arith.muli %add3A_225, %mul3A_228 : i32
      %swap3A_230 = arith.index_cast %mul3A_229 : i32 to index
      %swap3A_231 = tpu.vector_load %arg10[%swap3A_230] {strides = array<i32>} : memref<2048xi32, #tpu.memory_space<vmem>>, vector<16xi32>,
      tpu.vector_store %arg10[%swap3A_230], %broadcast_in_dim3A_227 {strides = array<i32>} : memref<2048xi32, #tpu.memory_space<vmem>>, vector<16xi32>,
    }
    %scan3A_6 = arith.constant 128 : i32
    %scan3A_7 = arith.constant 0 : i32
    %scan3A_8 = arith.constant 256 : i32
    %scan3A_9 = arith.addi %scan3A_7, %scan3A_8 : i32
    %scan3A_10 = arith.constant 4 : i32
    scf.for %scan3A_139 = %scan3A_7 to %scan3A_9 step %scan3A_10  : i32 {
      %mul3A_140 = arith.constant 1 : i32
      %mul3A_141 = arith.muli %scan3A_139, %mul3A_140 : i32
      %add3A_142 = arith.constant 0 : i32
      %add3A_143 = arith.addi %add3A_142, %mul3A_141 : i32
      %mul3A_144 = arith.constant 16 : i32
      %mul3A_145 = arith.muli %add3A_143, %mul3A_144 : i32
      %get3A = arith.index_cast %mul3A_145 : i32 to index
      %get3A_146 = tpu.vector_load %arg5[%get3A] {strides = array<i32>} : memref<4096xf32, #tpu.memory_space<vmem>>, vector<16xf32>,
      %bitcast3A = vector.bitcast %get3A_146 : vector<16xf32> to vector<16xi32>
      %shift_right_arithmetic3A = arith.constant 31 : i32
      %shift_right_arithmetic3A_147 = vector.broadcast %shift_right_arithmetic3A : i32 to vector<16xi32>
      %shift_right_arithmetic3A_148 = arith.shrsi %bitcast3A, %shift_right_arithmetic3A_147 : vector<16xi32>
      %or3A = arith.constant -2147483648 : i32
      %or3A_149 = vector.broadcast %or3A : i32 to vector<16xi32>
      %or3A_150 = arith.ori %shift_right_arithmetic3A_148, %or3A_149 : vector<16xi32>
      %xor3A = arith.xori %bitcast3A, %or3A_150 : vector<16xi32>
      %shift_right_logical3A = arith.constant 0 : i32
      %shift_right_logical3A_151 = vector.broadcast %shift_right_logical3A : i32 to vector<16xi32>
      %shift_right_logical3A_152 = arith.shrui %xor3A, %shift_right_logical3A_151 : vector<16xi32>
      %and3A = arith.constant 2047 : i32
      %and3A_153 = vector.broadcast %and3A : i32 to vector<16xi32>
      %and3A_154 = arith.andi %shift_right_logical3A_152, %and3A_153 : vector<16xi32>
      %gather3A = tpu.vector_load_idx %arg10[%and3A_154] : memref<2048xi32, #tpu.memory_space<vmem>>[vector<16xi32>], vector<16xi32>,
      %broadcast_in_dim3A = arith.constant true
      %broadcast_in_dim3A_155 = vector.broadcast %broadcast_in_dim3A : i1 to vector<16xi1>
      %unique3A, %unique3A_156 = tpu.scan_count mask(%broadcast_in_dim3A_155 : vector<16xi1>) value(%and3A_154 : vector<16xi32>) : vector<16xi1>, vector<16xi32>
      %add3A_157 = arith.addi %gather3A, %unique3A_156 : vector<16xi32>
      tpu.vector_store_idx %arg10[%and3A_154], %add3A_157 masked %unique3A : memref<2048xi32, #tpu.memory_space<vmem>>[vector<16xi32>], vector<16xi32>, vector<16xi1>
      %scan3A_158 = arith.constant 1 : i32
      %scan3A_159 = arith.addi %scan3A_139, %scan3A_158 : i32
      %mul3A_160 = arith.constant 1 : i32
      %mul3A_161 = arith.muli %scan3A_159, %mul3A_160 : i32
      %add3A_162 = arith.constant 0 : i32
      %add3A_163 = arith.addi %add3A_162, %mul3A_161 : i32
      %mul3A_164 = arith.constant 16 : i32
      %mul3A_165 = arith.muli %add3A_163, %mul3A_164 : i32
      %get3A_166 = arith.index_cast %mul3A_165 : i32 to index
      %get3A_167 = tpu.vector_load %arg5[%get3A_166] {strides = array<i32>} : memref<4096xf32, #tpu.memory_space<vmem>>, vector<16xf32>,
      %bitcast3A_168 = vector.bitcast %get3A_167 : vector<16xf32> to vector<16xi32>
      %shift_right_arithmetic3A_169 = arith.constant 31 : i32
      %shift_right_arithmetic3A_170 = vector.broadcast %shift_right_arithmetic3A_169 : i32 to vector<16xi32>
      %shift_right_arithmetic3A_171 = arith.shrsi %bitcast3A_168, %shift_right_arithmetic3A_170 : vector<16xi32>
      %or3A_172 = arith.constant -2147483648 : i32
      %or3A_173 = vector.broadcast %or3A_172 : i32 to vector<16xi32>
      %or3A_174 = arith.ori %shift_right_arithmetic3A_171, %or3A_173 : vector<16xi32>
      %xor3A_175 = arith.xori %bitcast3A_168, %or3A_174 : vector<16xi32>
      %shift_right_logical3A_176 = arith.constant 0 : i32
      %shift_right_logical3A_177 = vector.broadcast %shift_right_logical3A_176 : i32 to vector<16xi32>
      %shift_right_logical3A_178 = arith.shrui %xor3A_175, %shift_right_logical3A_177 : vector<16xi32>
      %and3A_179 = arith.constant 2047 : i32
      %and3A_180 = vector.broadcast %and3A_179 : i32 to vector<16xi32>
      %and3A_181 = arith.andi %shift_right_logical3A_178, %and3A_180 : vector<16xi32>
      %gather3A_182 = tpu.vector_load_idx %arg10[%and3A_181] : memref<2048xi32, #tpu.memory_space<vmem>>[vector<16xi32>], vector<16xi32>,
      %broadcast_in_dim3A_183 = arith.constant true
      %broadcast_in_dim3A_184 = vector.broadcast %broadcast_in_dim3A_183 : i1 to vector<16xi1>
      %unique3A_185, %unique3A_186 = tpu.scan_count mask(%broadcast_in_dim3A_184 : vector<16xi1>) value(%and3A_181 : vector<16xi32>) : vector<16xi1>, vector<16xi32>
      %add3A_187 = arith.addi %gather3A_182, %unique3A_186 : vector<16xi32>
      tpu.vector_store_idx %arg10[%and3A_181], %add3A_187 masked %unique3A_185 : memref<2048xi32, #tpu.memory_space<vmem>>[vector<16xi32>], vector<16xi32>, vector<16xi1>
      %scan3A_188 = arith.constant 2 : i32
      %scan3A_189 = arith.addi %scan3A_139, %scan3A_188 : i32
      %mul3A_190 = arith.constant 1 : i32
      %mul3A_191 = arith.muli %scan3A_189, %mul3A_190 : i32
      %add3A_192 = arith.constant 0 : i32
      %add3A_193 = arith.addi %add3A_192, %mul3A_191 : i32
      %mul3A_194 = arith.constant 16 : i32
      %mul3A_195 = arith.muli %add3A_193, %mul3A_194 : i32
      %get3A_196 = arith.index_cast %mul3A_195 : i32 to index
      %get3A_197 = tpu.vector_load %arg5[%get3A_196] {strides = array<i32>} : memref<4096xf32, #tpu.memory_space<vmem>>, vector<16xf32>,
      %bitcast3A_198 = vector.bitcast %get3A_197 : vector<16xf32> to vector<16xi32>
      %shift_right_arithmetic3A_199 = arith.constant 31 : i32
      %shift_right_arithmetic3A_200 = vector.broadcast %shift_right_arithmetic3A_199 : i32 to vector<16xi32>
      %shift_right_arithmetic3A_201 = arith.shrsi %bitcast3A_198, %shift_right_arithmetic3A_200 : vector<16xi32>
      %or3A_202 = arith.constant -2147483648 : i32
      %or3A_203 = vector.broadcast %or3A_202 : i32 to vector<16xi32>
      %or3A_204 = arith.ori %shift_right_arithmetic3A_201, %or3A_203 : vector<16xi32>
      %xor3A_205 = arith.xori %bitcast3A_198, %or3A_204 : vector<16xi32>
      %shift_right_logical3A_206 = arith.constant 0 : i32
      %shift_right_logical3A_207 = vector.broadcast %shift_right_logical3A_206 : i32 to vector<16xi32>
      %shift_right_logical3A_208 = arith.shrui %xor3A_205, %shift_right_logical3A_207 : vector<16xi32>
      %and3A_209 = arith.constant 2047 : i32
      %and3A_210 = vector.broadcast %and3A_209 : i32 to vector<16xi32>
      %and3A_211 = arith.andi %shift_right_logical3A_208, %and3A_210 : vector<16xi32>
      %gather3A_212 = tpu.vector_load_idx %arg10[%and3A_211] : memref<2048xi32, #tpu.memory_space<vmem>>[vector<16xi32>], vector<16xi32>,
      %broadcast_in_dim3A_213 = arith.constant true
      %broadcast_in_dim3A_214 = vector.broadcast %broadcast_in_dim3A_213 : i1 to vector<16xi1>
      %unique3A_215, %unique3A_216 = tpu.scan_count mask(%broadcast_in_dim3A_214 : vector<16xi1>) value(%and3A_211 : vector<16xi32>) : vector<16xi1>, vector<16xi32>
      %add3A_217 = arith.addi %gather3A_212, %unique3A_216 : vector<16xi32>
      tpu.vector_store_idx %arg10[%and3A_211], %add3A_217 masked %unique3A_215 : memref<2048xi32, #tpu.memory_space<vmem>>[vector<16xi32>], vector<16xi32>, vector<16xi1>
      %scan3A_218 = arith.constant 3 : i32
      %scan3A_219 = arith.addi %scan3A_139, %scan3A_218 : i32
      %mul3A_220 = arith.constant 1 : i32
      %mul3A_221 = arith.muli %scan3A_219, %mul3A_220 : i32
      %add3A_222 = arith.constant 0 : i32
      %add3A_223 = arith.addi %add3A_222, %mul3A_221 : i32
      %mul3A_224 = arith.constant 16 : i32
      %mul3A_225 = arith.muli %add3A_223, %mul3A_224 : i32
      %get3A_226 = arith.index_cast %mul3A_225 : i32 to index
      %get3A_227 = tpu.vector_load %arg5[%get3A_226] {strides = array<i32>} : memref<4096xf32, #tpu.memory_space<vmem>>, vector<16xf32>,
      %bitcast3A_228 = vector.bitcast %get3A_227 : vector<16xf32> to vector<16xi32>
      %shift_right_arithmetic3A_229 = arith.constant 31 : i32
      %shift_right_arithmetic3A_230 = vector.broadcast %shift_right_arithmetic3A_229 : i32 to vector<16xi32>
      %shift_right_arithmetic3A_231 = arith.shrsi %bitcast3A_228, %shift_right_arithmetic3A_230 : vector<16xi32>
      %or3A_232 = arith.constant -2147483648 : i32
      %or3A_233 = vector.broadcast %or3A_232 : i32 to vector<16xi32>
      %or3A_234 = arith.ori %shift_right_arithmetic3A_231, %or3A_233 : vector<16xi32>
      %xor3A_235 = arith.xori %bitcast3A_228, %or3A_234 : vector<16xi32>
      %shift_right_logical3A_236 = arith.constant 0 : i32
      %shift_right_logical3A_237 = vector.broadcast %shift_right_logical3A_236 : i32 to vector<16xi32>
      %shift_right_logical3A_238 = arith.shrui %xor3A_235, %shift_right_logical3A_237 : vector<16xi32>
      %and3A_239 = arith.constant 2047 : i32
      %and3A_240 = vector.broadcast %and3A_239 : i32 to vector<16xi32>
      %and3A_241 = arith.andi %shift_right_logical3A_238, %and3A_240 : vector<16xi32>
      %gather3A_242 = tpu.vector_load_idx %arg10[%and3A_241] : memref<2048xi32, #tpu.memory_space<vmem>>[vector<16xi32>], vector<16xi32>,
      %broadcast_in_dim3A_243 = arith.constant true
      %broadcast_in_dim3A_244 = vector.broadcast %broadcast_in_dim3A_243 : i1 to vector<16xi1>
      %unique3A_245, %unique3A_246 = tpu.scan_count mask(%broadcast_in_dim3A_244 : vector<16xi1>) value(%and3A_241 : vector<16xi32>) : vector<16xi1>, vector<16xi32>
      %add3A_247 = arith.addi %gather3A_242, %unique3A_246 : vector<16xi32>
      tpu.vector_store_idx %arg10[%and3A_241], %add3A_247 masked %unique3A_245 : memref<2048xi32, #tpu.memory_space<vmem>>[vector<16xi32>], vector<16xi32>, vector<16xi1>
    }
    %scan3A_11 = arith.constant 256 : i32
    %scan3A_12 = arith.constant 0 : i32
    %scan3A_13 = arith.constant 0 : i32
    %scan3A_14 = arith.constant 128 : i32
    %scan3A_15 = arith.addi %scan3A_13, %scan3A_14 : i32
    %scan3A_16 = arith.constant 2 : i32
    %scan3A_17 = scf.for %scan3A_139 = %scan3A_13 to %scan3A_15 step %scan3A_16 iter_args(%scan3A_140 = %scan3A_12) -> (i32)  : i32 {
      %mul3A_141 = arith.constant 1 : i32
      %mul3A_142 = arith.muli %scan3A_139, %mul3A_141 : i32
      %add3A_143 = arith.constant 0 : i32
      %add3A_144 = arith.addi %add3A_143, %mul3A_142 : i32
      %mul3A_145 = arith.constant 16 : i32
      %mul3A_146 = arith.muli %add3A_144, %mul3A_145 : i32
      %get3A = arith.index_cast %mul3A_146 : i32 to index
      %get3A_147 = tpu.vector_load %arg10[%get3A] {strides = array<i32>} : memref<2048xi32, #tpu.memory_space<vmem>>, vector<16xi32>,
      %broadcast_in_dim3A = arith.constant true
      %broadcast_in_dim3A_148 = vector.broadcast %broadcast_in_dim3A : i1 to vector<16xi1>
      %masked_cumsum3A = tpu.scan <sum>, %get3A_147 masked %broadcast_in_dim3A_148 : vector<16xi32>, vector<16xi1> -> vector<16xi32>
      %sub3A = arith.subi %masked_cumsum3A, %get3A_147 : vector<16xi32>
      %add3A_149 = vector.broadcast %scan3A_140 : i32 to vector<16xi32>
      %add3A_150 = arith.addi %sub3A, %add3A_149 : vector<16xi32>
      %mul3A_151 = arith.constant 16 : i32
      %mul3A_152 = arith.muli %add3A_144, %mul3A_151 : i32
      %swap3A = arith.index_cast %mul3A_152 : i32 to index
      %swap3A_153 = tpu.vector_load %arg10[%swap3A] {strides = array<i32>} : memref<2048xi32, #tpu.memory_space<vmem>>, vector<16xi32>,
      tpu.vector_store %arg10[%swap3A], %add3A_150 {strides = array<i32>} : memref<2048xi32, #tpu.memory_space<vmem>>, vector<16xi32>,
      %reduce_sum3A = arith.constant true
      %reduce_sum3A_154 = vector.broadcast %reduce_sum3A : i1 to vector<16xi1>
      %reduce_sum3A_155 = tpu.scan <sum>, %get3A_147 masked %reduce_sum3A_154 : vector<16xi32>, vector<16xi1> -> vector<16xi32>
      %reduce_sum3A_156 = vector.extract %reduce_sum3A_155[15] : i32 from vector<16xi32>
      %add3A_157 = arith.addi %scan3A_140, %reduce_sum3A_156 : i32
      %scan3A_158 = arith.constant 1 : i32
      %scan3A_159 = arith.addi %scan3A_139, %scan3A_158 : i32
      %mul3A_160 = arith.constant 1 : i32
      %mul3A_161 = arith.muli %scan3A_159, %mul3A_160 : i32
      %add3A_162 = arith.constant 0 : i32
      %add3A_163 = arith.addi %add3A_162, %mul3A_161 : i32
      %mul3A_164 = arith.constant 16 : i32
      %mul3A_165 = arith.muli %add3A_163, %mul3A_164 : i32
      %get3A_166 = arith.index_cast %mul3A_165 : i32 to index
      %get3A_167 = tpu.vector_load %arg10[%get3A_166] {strides = array<i32>} : memref<2048xi32, #tpu.memory_space<vmem>>, vector<16xi32>,
      %broadcast_in_dim3A_168 = arith.constant true
      %broadcast_in_dim3A_169 = vector.broadcast %broadcast_in_dim3A_168 : i1 to vector<16xi1>
      %masked_cumsum3A_170 = tpu.scan <sum>, %get3A_167 masked %broadcast_in_dim3A_169 : vector<16xi32>, vector<16xi1> -> vector<16xi32>
      %sub3A_171 = arith.subi %masked_cumsum3A_170, %get3A_167 : vector<16xi32>
      %add3A_172 = vector.broadcast %add3A_157 : i32 to vector<16xi32>
      %add3A_173 = arith.addi %sub3A_171, %add3A_172 : vector<16xi32>
      %mul3A_174 = arith.constant 16 : i32
      %mul3A_175 = arith.muli %add3A_163, %mul3A_174 : i32
      %swap3A_176 = arith.index_cast %mul3A_175 : i32 to index
      %swap3A_177 = tpu.vector_load %arg10[%swap3A_176] {strides = array<i32>} : memref<2048xi32, #tpu.memory_space<vmem>>, vector<16xi32>,
      tpu.vector_store %arg10[%swap3A_176], %add3A_173 {strides = array<i32>} : memref<2048xi32, #tpu.memory_space<vmem>>, vector<16xi32>,
      %reduce_sum3A_178 = arith.constant true
      %reduce_sum3A_179 = vector.broadcast %reduce_sum3A_178 : i1 to vector<16xi1>
      %reduce_sum3A_180 = tpu.scan <sum>, %get3A_167 masked %reduce_sum3A_179 : vector<16xi32>, vector<16xi1> -> vector<16xi32>
      %reduce_sum3A_181 = vector.extract %reduce_sum3A_180[15] : i32 from vector<16xi32>
      %add3A_182 = arith.addi %add3A_157, %reduce_sum3A_181 : i32
      scf.yield %add3A_182 : i32
    }
    %scan3A_18 = arith.constant 128 : i32
    %scan3A_19 = arith.constant 0 : i32
    %scan3A_20 = arith.constant 256 : i32
    %scan3A_21 = arith.addi %scan3A_19, %scan3A_20 : i32
    %scan3A_22 = arith.constant 4 : i32
    scf.for %scan3A_139 = %scan3A_19 to %scan3A_21 step %scan3A_22  : i32 {
      %mul3A_140 = arith.constant 1 : i32
      %mul3A_141 = arith.muli %scan3A_139, %mul3A_140 : i32
      %add3A_142 = arith.constant 0 : i32
      %add3A_143 = arith.addi %add3A_142, %mul3A_141 : i32
      %mul3A_144 = arith.constant 16 : i32
      %mul3A_145 = arith.muli %add3A_143, %mul3A_144 : i32
      %get3A = arith.index_cast %mul3A_145 : i32 to index
      %get3A_146 = tpu.vector_load %arg5[%get3A] {strides = array<i32>} : memref<4096xf32, #tpu.memory_space<vmem>>, vector<16xf32>,
      %bitcast3A = vector.bitcast %get3A_146 : vector<16xf32> to vector<16xi32>
      %shift_right_arithmetic3A = arith.constant 31 : i32
      %shift_right_arithmetic3A_147 = vector.broadcast %shift_right_arithmetic3A : i32 to vector<16xi32>
      %shift_right_arithmetic3A_148 = arith.shrsi %bitcast3A, %shift_right_arithmetic3A_147 : vector<16xi32>
      %or3A = arith.constant -2147483648 : i32
      %or3A_149 = vector.broadcast %or3A : i32 to vector<16xi32>
      %or3A_150 = arith.ori %shift_right_arithmetic3A_148, %or3A_149 : vector<16xi32>
      %xor3A = arith.xori %bitcast3A, %or3A_150 : vector<16xi32>
      %mul3A_151 = arith.constant 16 : i32
      %mul3A_152 = arith.muli %add3A_143, %mul3A_151 : i32
      %add3A_153 = arith.addi %mul3A_2, %mul3A_152 : i32
      %iota3A = tpu.iota {dimensions = array<i32: 0>} : vector<16xi32>
      %add3A_154 = vector.broadcast %add3A_153 : i32 to vector<16xi32>
      %add3A_155 = arith.addi %add3A_154, %iota3A : vector<16xi32>
      %shift_right_logical3A = arith.constant 0 : i32
      %shift_right_logical3A_156 = vector.broadcast %shift_right_logical3A : i32 to vector<16xi32>
      %shift_right_logical3A_157 = arith.shrui %xor3A, %shift_right_logical3A_156 : vector<16xi32>
      %and3A = arith.constant 2047 : i32
      %and3A_158 = vector.broadcast %and3A : i32 to vector<16xi32>
      %and3A_159 = arith.andi %shift_right_logical3A_157, %and3A_158 : vector<16xi32>
      %gather3A = tpu.vector_load_idx %arg10[%and3A_159] : memref<2048xi32, #tpu.memory_space<vmem>>[vector<16xi32>], vector<16xi32>,
      %broadcast_in_dim3A = arith.constant true
      %broadcast_in_dim3A_160 = vector.broadcast %broadcast_in_dim3A : i1 to vector<16xi1>
      %unique3A, %unique3A_161 = tpu.scan_count mask(%broadcast_in_dim3A_160 : vector<16xi1>) value(%and3A_159 : vector<16xi32>) : vector<16xi1>, vector<16xi32>
      %add3A_162 = arith.addi %gather3A, %unique3A_161 : vector<16xi32>
      %sub3A = arith.constant 1 : i32
      %sub3A_163 = vector.broadcast %sub3A : i32 to vector<16xi32>
      %sub3A_164 = arith.subi %add3A_162, %sub3A_163 : vector<16xi32>
      tpu.vector_store_idx %arg8[%sub3A_164], %xor3A : memref<4096xi32, #tpu.memory_space<vmem>>[vector<16xi32>], vector<16xi32>,
      tpu.vector_store_idx %arg9[%sub3A_164], %add3A_155 : memref<4096xi32, #tpu.memory_space<vmem>>[vector<16xi32>], vector<16xi32>,
      %add3A_165 = arith.addi %gather3A, %unique3A_161 : vector<16xi32>
      tpu.vector_store_idx %arg10[%and3A_159], %add3A_165 masked %unique3A : memref<2048xi32, #tpu.memory_space<vmem>>[vector<16xi32>], vector<16xi32>, vector<16xi1>
      %scan3A_166 = arith.constant 1 : i32
      %scan3A_167 = arith.addi %scan3A_139, %scan3A_166 : i32
      %mul3A_168 = arith.constant 1 : i32
      %mul3A_169 = arith.muli %scan3A_167, %mul3A_168 : i32
      %add3A_170 = arith.constant 0 : i32
      %add3A_171 = arith.addi %add3A_170, %mul3A_169 : i32
      %mul3A_172 = arith.constant 16 : i32
      %mul3A_173 = arith.muli %add3A_171, %mul3A_172 : i32
      %get3A_174 = arith.index_cast %mul3A_173 : i32 to index
      %get3A_175 = tpu.vector_load %arg5[%get3A_174] {strides = array<i32>} : memref<4096xf32, #tpu.memory_space<vmem>>, vector<16xf32>,
      %bitcast3A_176 = vector.bitcast %get3A_175 : vector<16xf32> to vector<16xi32>
      %shift_right_arithmetic3A_177 = arith.constant 31 : i32
      %shift_right_arithmetic3A_178 = vector.broadcast %shift_right_arithmetic3A_177 : i32 to vector<16xi32>
      %shift_right_arithmetic3A_179 = arith.shrsi %bitcast3A_176, %shift_right_arithmetic3A_178 : vector<16xi32>
      %or3A_180 = arith.constant -2147483648 : i32
      %or3A_181 = vector.broadcast %or3A_180 : i32 to vector<16xi32>
      %or3A_182 = arith.ori %shift_right_arithmetic3A_179, %or3A_181 : vector<16xi32>
      %xor3A_183 = arith.xori %bitcast3A_176, %or3A_182 : vector<16xi32>
      %mul3A_184 = arith.constant 16 : i32
      %mul3A_185 = arith.muli %add3A_171, %mul3A_184 : i32
      %add3A_186 = arith.addi %mul3A_2, %mul3A_185 : i32
      %iota3A_187 = tpu.iota {dimensions = array<i32: 0>} : vector<16xi32>
      %add3A_188 = vector.broadcast %add3A_186 : i32 to vector<16xi32>
      %add3A_189 = arith.addi %add3A_188, %iota3A_187 : vector<16xi32>
      %shift_right_logical3A_190 = arith.constant 0 : i32
      %shift_right_logical3A_191 = vector.broadcast %shift_right_logical3A_190 : i32 to vector<16xi32>
      %shift_right_logical3A_192 = arith.shrui %xor3A_183, %shift_right_logical3A_191 : vector<16xi32>
      %and3A_193 = arith.constant 2047 : i32
      %and3A_194 = vector.broadcast %and3A_193 : i32 to vector<16xi32>
      %and3A_195 = arith.andi %shift_right_logical3A_192, %and3A_194 : vector<16xi32>
      %gather3A_196 = tpu.vector_load_idx %arg10[%and3A_195] : memref<2048xi32, #tpu.memory_space<vmem>>[vector<16xi32>], vector<16xi32>,
      %broadcast_in_dim3A_197 = arith.constant true
      %broadcast_in_dim3A_198 = vector.broadcast %broadcast_in_dim3A_197 : i1 to vector<16xi1>
      %unique3A_199, %unique3A_200 = tpu.scan_count mask(%broadcast_in_dim3A_198 : vector<16xi1>) value(%and3A_195 : vector<16xi32>) : vector<16xi1>, vector<16xi32>
      %add3A_201 = arith.addi %gather3A_196, %unique3A_200 : vector<16xi32>
      %sub3A_202 = arith.constant 1 : i32
      %sub3A_203 = vector.broadcast %sub3A_202 : i32 to vector<16xi32>
      %sub3A_204 = arith.subi %add3A_201, %sub3A_203 : vector<16xi32>
      tpu.vector_store_idx %arg8[%sub3A_204], %xor3A_183 : memref<4096xi32, #tpu.memory_space<vmem>>[vector<16xi32>], vector<16xi32>,
      tpu.vector_store_idx %arg9[%sub3A_204], %add3A_189 : memref<4096xi32, #tpu.memory_space<vmem>>[vector<16xi32>], vector<16xi32>,
      %add3A_205 = arith.addi %gather3A_196, %unique3A_200 : vector<16xi32>
      tpu.vector_store_idx %arg10[%and3A_195], %add3A_205 masked %unique3A_199 : memref<2048xi32, #tpu.memory_space<vmem>>[vector<16xi32>], vector<16xi32>, vector<16xi1>
      %scan3A_206 = arith.constant 2 : i32
      %scan3A_207 = arith.addi %scan3A_139, %scan3A_206 : i32
      %mul3A_208 = arith.constant 1 : i32
      %mul3A_209 = arith.muli %scan3A_207, %mul3A_208 : i32
      %add3A_210 = arith.constant 0 : i32
      %add3A_211 = arith.addi %add3A_210, %mul3A_209 : i32
      %mul3A_212 = arith.constant 16 : i32
      %mul3A_213 = arith.muli %add3A_211, %mul3A_212 : i32
      %get3A_214 = arith.index_cast %mul3A_213 : i32 to index
      %get3A_215 = tpu.vector_load %arg5[%get3A_214] {strides = array<i32>} : memref<4096xf32, #tpu.memory_space<vmem>>, vector<16xf32>,
      %bitcast3A_216 = vector.bitcast %get3A_215 : vector<16xf32> to vector<16xi32>
      %shift_right_arithmetic3A_217 = arith.constant 31 : i32
      %shift_right_arithmetic3A_218 = vector.broadcast %shift_right_arithmetic3A_217 : i32 to vector<16xi32>
      %shift_right_arithmetic3A_219 = arith.shrsi %bitcast3A_216, %shift_right_arithmetic3A_218 : vector<16xi32>
      %or3A_220 = arith.constant -2147483648 : i32
      %or3A_221 = vector.broadcast %or3A_220 : i32 to vector<16xi32>
      %or3A_222 = arith.ori %shift_right_arithmetic3A_219, %or3A_221 : vector<16xi32>
      %xor3A_223 = arith.xori %bitcast3A_216, %or3A_222 : vector<16xi32>
      %mul3A_224 = arith.constant 16 : i32
      %mul3A_225 = arith.muli %add3A_211, %mul3A_224 : i32
      %add3A_226 = arith.addi %mul3A_2, %mul3A_225 : i32
      %iota3A_227 = tpu.iota {dimensions = array<i32: 0>} : vector<16xi32>
      %add3A_228 = vector.broadcast %add3A_226 : i32 to vector<16xi32>
      %add3A_229 = arith.addi %add3A_228, %iota3A_227 : vector<16xi32>
      %shift_right_logical3A_230 = arith.constant 0 : i32
      %shift_right_logical3A_231 = vector.broadcast %shift_right_logical3A_230 : i32 to vector<16xi32>
      %shift_right_logical3A_232 = arith.shrui %xor3A_223, %shift_right_logical3A_231 : vector<16xi32>
      %and3A_233 = arith.constant 2047 : i32
      %and3A_234 = vector.broadcast %and3A_233 : i32 to vector<16xi32>
      %and3A_235 = arith.andi %shift_right_logical3A_232, %and3A_234 : vector<16xi32>
      %gather3A_236 = tpu.vector_load_idx %arg10[%and3A_235] : memref<2048xi32, #tpu.memory_space<vmem>>[vector<16xi32>], vector<16xi32>,
      %broadcast_in_dim3A_237 = arith.constant true
      %broadcast_in_dim3A_238 = vector.broadcast %broadcast_in_dim3A_237 : i1 to vector<16xi1>
      %unique3A_239, %unique3A_240 = tpu.scan_count mask(%broadcast_in_dim3A_238 : vector<16xi1>) value(%and3A_235 : vector<16xi32>) : vector<16xi1>, vector<16xi32>
      %add3A_241 = arith.addi %gather3A_236, %unique3A_240 : vector<16xi32>
      %sub3A_242 = arith.constant 1 : i32
      %sub3A_243 = vector.broadcast %sub3A_242 : i32 to vector<16xi32>
      %sub3A_244 = arith.subi %add3A_241, %sub3A_243 : vector<16xi32>
      tpu.vector_store_idx %arg8[%sub3A_244], %xor3A_223 : memref<4096xi32, #tpu.memory_space<vmem>>[vector<16xi32>], vector<16xi32>,
      tpu.vector_store_idx %arg9[%sub3A_244], %add3A_229 : memref<4096xi32, #tpu.memory_space<vmem>>[vector<16xi32>], vector<16xi32>,
      %add3A_245 = arith.addi %gather3A_236, %unique3A_240 : vector<16xi32>
      tpu.vector_store_idx %arg10[%and3A_235], %add3A_245 masked %unique3A_239 : memref<2048xi32, #tpu.memory_space<vmem>>[vector<16xi32>], vector<16xi32>, vector<16xi1>
      %scan3A_246 = arith.constant 3 : i32
      %scan3A_247 = arith.addi %scan3A_139, %scan3A_246 : i32
      %mul3A_248 = arith.constant 1 : i32
      %mul3A_249 = arith.muli %scan3A_247, %mul3A_248 : i32
      %add3A_250 = arith.constant 0 : i32
      %add3A_251 = arith.addi %add3A_250, %mul3A_249 : i32
      %mul3A_252 = arith.constant 16 : i32
      %mul3A_253 = arith.muli %add3A_251, %mul3A_252 : i32
      %get3A_254 = arith.index_cast %mul3A_253 : i32 to index
      %get3A_255 = tpu.vector_load %arg5[%get3A_254] {strides = array<i32>} : memref<4096xf32, #tpu.memory_space<vmem>>, vector<16xf32>,
      %bitcast3A_256 = vector.bitcast %get3A_255 : vector<16xf32> to vector<16xi32>
      %shift_right_arithmetic3A_257 = arith.constant 31 : i32
      %shift_right_arithmetic3A_258 = vector.broadcast %shift_right_arithmetic3A_257 : i32 to vector<16xi32>
      %shift_right_arithmetic3A_259 = arith.shrsi %bitcast3A_256, %shift_right_arithmetic3A_258 : vector<16xi32>
      %or3A_260 = arith.constant -2147483648 : i32
      %or3A_261 = vector.broadcast %or3A_260 : i32 to vector<16xi32>
      %or3A_262 = arith.ori %shift_right_arithmetic3A_259, %or3A_261 : vector<16xi32>
      %xor3A_263 = arith.xori %bitcast3A_256, %or3A_262 : vector<16xi32>
      %mul3A_264 = arith.constant 16 : i32
      %mul3A_265 = arith.muli %add3A_251, %mul3A_264 : i32
      %add3A_266 = arith.addi %mul3A_2, %mul3A_265 : i32
      %iota3A_267 = tpu.iota {dimensions = array<i32: 0>} : vector<16xi32>
      %add3A_268 = vector.broadcast %add3A_266 : i32 to vector<16xi32>
      %add3A_269 = arith.addi %add3A_268, %iota3A_267 : vector<16xi32>
      %shift_right_logical3A_270 = arith.constant 0 : i32
      %shift_right_logical3A_271 = vector.broadcast %shift_right_logical3A_270 : i32 to vector<16xi32>
      %shift_right_logical3A_272 = arith.shrui %xor3A_263, %shift_right_logical3A_271 : vector<16xi32>
      %and3A_273 = arith.constant 2047 : i32
      %and3A_274 = vector.broadcast %and3A_273 : i32 to vector<16xi32>
      %and3A_275 = arith.andi %shift_right_logical3A_272, %and3A_274 : vector<16xi32>
      %gather3A_276 = tpu.vector_load_idx %arg10[%and3A_275] : memref<2048xi32, #tpu.memory_space<vmem>>[vector<16xi32>], vector<16xi32>,
      %broadcast_in_dim3A_277 = arith.constant true
      %broadcast_in_dim3A_278 = vector.broadcast %broadcast_in_dim3A_277 : i1 to vector<16xi1>
      %unique3A_279, %unique3A_280 = tpu.scan_count mask(%broadcast_in_dim3A_278 : vector<16xi1>) value(%and3A_275 : vector<16xi32>) : vector<16xi1>, vector<16xi32>
      %add3A_281 = arith.addi %gather3A_276, %unique3A_280 : vector<16xi32>
      %sub3A_282 = arith.constant 1 : i32
      %sub3A_283 = vector.broadcast %sub3A_282 : i32 to vector<16xi32>
      %sub3A_284 = arith.subi %add3A_281, %sub3A_283 : vector<16xi32>
      tpu.vector_store_idx %arg8[%sub3A_284], %xor3A_263 : memref<4096xi32, #tpu.memory_space<vmem>>[vector<16xi32>], vector<16xi32>,
      tpu.vector_store_idx %arg9[%sub3A_284], %add3A_269 : memref<4096xi32, #tpu.memory_space<vmem>>[vector<16xi32>], vector<16xi32>,
      %add3A_285 = arith.addi %gather3A_276, %unique3A_280 : vector<16xi32>
      tpu.vector_store_idx %arg10[%and3A_275], %add3A_285 masked %unique3A_279 : memref<2048xi32, #tpu.memory_space<vmem>>[vector<16xi32>], vector<16xi32>, vector<16xi1>
    }
    %scan3A_23 = arith.constant 256 : i32
    %scan3A_24 = arith.constant 0 : i32
    %scan3A_25 = arith.constant 128 : i32
    %scan3A_26 = arith.addi %scan3A_24, %scan3A_25 : i32
    %scan3A_27 = arith.constant 8 : i32
    scf.for %scan3A_139 = %scan3A_24 to %scan3A_26 step %scan3A_27  : i32 {
      %mul3A_140 = arith.constant 1 : i32
      %mul3A_141 = arith.muli %scan3A_139, %mul3A_140 : i32
      %add3A_142 = arith.constant 0 : i32
      %add3A_143 = arith.addi %add3A_142, %mul3A_141 : i32
      %broadcast_in_dim3A = arith.constant 0 : i32
      %broadcast_in_dim3A_144 = vector.broadcast %broadcast_in_dim3A : i32 to vector<16xi32>
      %mul3A_145 = arith.constant 16 : i32
      %mul3A_146 = arith.muli %add3A_143, %mul3A_145 : i32
      %swap3A = arith.index_cast %mul3A_146 : i32 to index
      %swap3A_147 = tpu.vector_load %arg10[%swap3A] {strides = array<i32>} : memref<2048xi32, #tpu.memory_space<vmem>>, vector<16xi32>,
      tpu.vector_store %arg10[%swap3A], %broadcast_in_dim3A_144 {strides = array<i32>} : memref<2048xi32, #tpu.memory_space<vmem>>, vector<16xi32>,
      %scan3A_148 = arith.constant 1 : i32
      %scan3A_149 = arith.addi %scan3A_139, %scan3A_148 : i32
      %mul3A_150 = arith.constant 1 : i32
      %mul3A_151 = arith.muli %scan3A_149, %mul3A_150 : i32
      %add3A_152 = arith.constant 0 : i32
      %add3A_153 = arith.addi %add3A_152, %mul3A_151 : i32
      %broadcast_in_dim3A_154 = arith.constant 0 : i32
      %broadcast_in_dim3A_155 = vector.broadcast %broadcast_in_dim3A_154 : i32 to vector<16xi32>
      %mul3A_156 = arith.constant 16 : i32
      %mul3A_157 = arith.muli %add3A_153, %mul3A_156 : i32
      %swap3A_158 = arith.index_cast %mul3A_157 : i32 to index
      %swap3A_159 = tpu.vector_load %arg10[%swap3A_158] {strides = array<i32>} : memref<2048xi32, #tpu.memory_space<vmem>>, vector<16xi32>,
      tpu.vector_store %arg10[%swap3A_158], %broadcast_in_dim3A_155 {strides = array<i32>} : memref<2048xi32, #tpu.memory_space<vmem>>, vector<16xi32>,
      %scan3A_160 = arith.constant 2 : i32
      %scan3A_161 = arith.addi %scan3A_139, %scan3A_160 : i32
      %mul3A_162 = arith.constant 1 : i32
      %mul3A_163 = arith.muli %scan3A_161, %mul3A_162 : i32
      %add3A_164 = arith.constant 0 : i32
      %add3A_165 = arith.addi %add3A_164, %mul3A_163 : i32
      %broadcast_in_dim3A_166 = arith.constant 0 : i32
      %broadcast_in_dim3A_167 = vector.broadcast %broadcast_in_dim3A_166 : i32 to vector<16xi32>
      %mul3A_168 = arith.constant 16 : i32
      %mul3A_169 = arith.muli %add3A_165, %mul3A_168 : i32
      %swap3A_170 = arith.index_cast %mul3A_169 : i32 to index
      %swap3A_171 = tpu.vector_load %arg10[%swap3A_170] {strides = array<i32>} : memref<2048xi32, #tpu.memory_space<vmem>>, vector<16xi32>,
      tpu.vector_store %arg10[%swap3A_170], %broadcast_in_dim3A_167 {strides = array<i32>} : memref<2048xi32, #tpu.memory_space<vmem>>, vector<16xi32>,
      %scan3A_172 = arith.constant 3 : i32
      %scan3A_173 = arith.addi %scan3A_139, %scan3A_172 : i32
      %mul3A_174 = arith.constant 1 : i32
      %mul3A_175 = arith.muli %scan3A_173, %mul3A_174 : i32
      %add3A_176 = arith.constant 0 : i32
      %add3A_177 = arith.addi %add3A_176, %mul3A_175 : i32
      %broadcast_in_dim3A_178 = arith.constant 0 : i32
      %broadcast_in_dim3A_179 = vector.broadcast %broadcast_in_dim3A_178 : i32 to vector<16xi32>
      %mul3A_180 = arith.constant 16 : i32
      %mul3A_181 = arith.muli %add3A_177, %mul3A_180 : i32
      %swap3A_182 = arith.index_cast %mul3A_181 : i32 to index
      %swap3A_183 = tpu.vector_load %arg10[%swap3A_182] {strides = array<i32>} : memref<2048xi32, #tpu.memory_space<vmem>>, vector<16xi32>,
      tpu.vector_store %arg10[%swap3A_182], %broadcast_in_dim3A_179 {strides = array<i32>} : memref<2048xi32, #tpu.memory_space<vmem>>, vector<16xi32>,
      %scan3A_184 = arith.constant 4 : i32
      %scan3A_185 = arith.addi %scan3A_139, %scan3A_184 : i32
      %mul3A_186 = arith.constant 1 : i32
      %mul3A_187 = arith.muli %scan3A_185, %mul3A_186 : i32
      %add3A_188 = arith.constant 0 : i32
      %add3A_189 = arith.addi %add3A_188, %mul3A_187 : i32
      %broadcast_in_dim3A_190 = arith.constant 0 : i32
      %broadcast_in_dim3A_191 = vector.broadcast %broadcast_in_dim3A_190 : i32 to vector<16xi32>
      %mul3A_192 = arith.constant 16 : i32
      %mul3A_193 = arith.muli %add3A_189, %mul3A_192 : i32
      %swap3A_194 = arith.index_cast %mul3A_193 : i32 to index
      %swap3A_195 = tpu.vector_load %arg10[%swap3A_194] {strides = array<i32>} : memref<2048xi32, #tpu.memory_space<vmem>>, vector<16xi32>,
      tpu.vector_store %arg10[%swap3A_194], %broadcast_in_dim3A_191 {strides = array<i32>} : memref<2048xi32, #tpu.memory_space<vmem>>, vector<16xi32>,
      %scan3A_196 = arith.constant 5 : i32
      %scan3A_197 = arith.addi %scan3A_139, %scan3A_196 : i32
      %mul3A_198 = arith.constant 1 : i32
      %mul3A_199 = arith.muli %scan3A_197, %mul3A_198 : i32
      %add3A_200 = arith.constant 0 : i32
      %add3A_201 = arith.addi %add3A_200, %mul3A_199 : i32
      %broadcast_in_dim3A_202 = arith.constant 0 : i32
      %broadcast_in_dim3A_203 = vector.broadcast %broadcast_in_dim3A_202 : i32 to vector<16xi32>
      %mul3A_204 = arith.constant 16 : i32
      %mul3A_205 = arith.muli %add3A_201, %mul3A_204 : i32
      %swap3A_206 = arith.index_cast %mul3A_205 : i32 to index
      %swap3A_207 = tpu.vector_load %arg10[%swap3A_206] {strides = array<i32>} : memref<2048xi32, #tpu.memory_space<vmem>>, vector<16xi32>,
      tpu.vector_store %arg10[%swap3A_206], %broadcast_in_dim3A_203 {strides = array<i32>} : memref<2048xi32, #tpu.memory_space<vmem>>, vector<16xi32>,
      %scan3A_208 = arith.constant 6 : i32
      %scan3A_209 = arith.addi %scan3A_139, %scan3A_208 : i32
      %mul3A_210 = arith.constant 1 : i32
      %mul3A_211 = arith.muli %scan3A_209, %mul3A_210 : i32
      %add3A_212 = arith.constant 0 : i32
      %add3A_213 = arith.addi %add3A_212, %mul3A_211 : i32
      %broadcast_in_dim3A_214 = arith.constant 0 : i32
      %broadcast_in_dim3A_215 = vector.broadcast %broadcast_in_dim3A_214 : i32 to vector<16xi32>
      %mul3A_216 = arith.constant 16 : i32
      %mul3A_217 = arith.muli %add3A_213, %mul3A_216 : i32
      %swap3A_218 = arith.index_cast %mul3A_217 : i32 to index
      %swap3A_219 = tpu.vector_load %arg10[%swap3A_218] {strides = array<i32>} : memref<2048xi32, #tpu.memory_space<vmem>>, vector<16xi32>,
      tpu.vector_store %arg10[%swap3A_218], %broadcast_in_dim3A_215 {strides = array<i32>} : memref<2048xi32, #tpu.memory_space<vmem>>, vector<16xi32>,
      %scan3A_220 = arith.constant 7 : i32
      %scan3A_221 = arith.addi %scan3A_139, %scan3A_220 : i32
      %mul3A_222 = arith.constant 1 : i32
      %mul3A_223 = arith.muli %scan3A_221, %mul3A_222 : i32
      %add3A_224 = arith.constant 0 : i32
      %add3A_225 = arith.addi %add3A_224, %mul3A_223 : i32
      %broadcast_in_dim3A_226 = arith.constant 0 : i32
      %broadcast_in_dim3A_227 = vector.broadcast %broadcast_in_dim3A_226 : i32 to vector<16xi32>
      %mul3A_228 = arith.constant 16 : i32
      %mul3A_229 = arith.muli %add3A_225, %mul3A_228 : i32
      %swap3A_230 = arith.index_cast %mul3A_229 : i32 to index
      %swap3A_231 = tpu.vector_load %arg10[%swap3A_230] {strides = array<i32>} : memref<2048xi32, #tpu.memory_space<vmem>>, vector<16xi32>,
      tpu.vector_store %arg10[%swap3A_230], %broadcast_in_dim3A_227 {strides = array<i32>} : memref<2048xi32, #tpu.memory_space<vmem>>, vector<16xi32>,
    }
    %scan3A_28 = arith.constant 128 : i32
    %scan3A_29 = arith.constant 0 : i32
    %scan3A_30 = arith.constant 256 : i32
    %scan3A_31 = arith.addi %scan3A_29, %scan3A_30 : i32
    %scan3A_32 = arith.constant 4 : i32
    scf.for %scan3A_139 = %scan3A_29 to %scan3A_31 step %scan3A_32  : i32 {
      %mul3A_140 = arith.constant 1 : i32
      %mul3A_141 = arith.muli %scan3A_139, %mul3A_140 : i32
      %add3A_142 = arith.constant 0 : i32
      %add3A_143 = arith.addi %add3A_142, %mul3A_141 : i32
      %mul3A_144 = arith.constant 16 : i32
      %mul3A_145 = arith.muli %add3A_143, %mul3A_144 : i32
      %get3A = arith.index_cast %mul3A_145 : i32 to index
      %get3A_146 = tpu.vector_load %arg8[%get3A] {strides = array<i32>} : memref<4096xi32, #tpu.memory_space<vmem>>, vector<16xi32>,
      %shift_right_logical3A = arith.constant 11 : i32
      %shift_right_logical3A_147 = vector.broadcast %shift_right_logical3A : i32 to vector<16xi32>
      %shift_right_logical3A_148 = arith.shrui %get3A_146, %shift_right_logical3A_147 : vector<16xi32>
      %and3A = arith.constant 2047 : i32
      %and3A_149 = vector.broadcast %and3A : i32 to vector<16xi32>
      %and3A_150 = arith.andi %shift_right_logical3A_148, %and3A_149 : vector<16xi32>
      %gather3A = tpu.vector_load_idx %arg10[%and3A_150] : memref<2048xi32, #tpu.memory_space<vmem>>[vector<16xi32>], vector<16xi32>,
      %broadcast_in_dim3A = arith.constant true
      %broadcast_in_dim3A_151 = vector.broadcast %broadcast_in_dim3A : i1 to vector<16xi1>
      %unique3A, %unique3A_152 = tpu.scan_count mask(%broadcast_in_dim3A_151 : vector<16xi1>) value(%and3A_150 : vector<16xi32>) : vector<16xi1>, vector<16xi32>
      %add3A_153 = arith.addi %gather3A, %unique3A_152 : vector<16xi32>
      tpu.vector_store_idx %arg10[%and3A_150], %add3A_153 masked %unique3A : memref<2048xi32, #tpu.memory_space<vmem>>[vector<16xi32>], vector<16xi32>, vector<16xi1>
      %scan3A_154 = arith.constant 1 : i32
      %scan3A_155 = arith.addi %scan3A_139, %scan3A_154 : i32
      %mul3A_156 = arith.constant 1 : i32
      %mul3A_157 = arith.muli %scan3A_155, %mul3A_156 : i32
      %add3A_158 = arith.constant 0 : i32
      %add3A_159 = arith.addi %add3A_158, %mul3A_157 : i32
      %mul3A_160 = arith.constant 16 : i32
      %mul3A_161 = arith.muli %add3A_159, %mul3A_160 : i32
      %get3A_162 = arith.index_cast %mul3A_161 : i32 to index
      %get3A_163 = tpu.vector_load %arg8[%get3A_162] {strides = array<i32>} : memref<4096xi32, #tpu.memory_space<vmem>>, vector<16xi32>,
      %shift_right_logical3A_164 = arith.constant 11 : i32
      %shift_right_logical3A_165 = vector.broadcast %shift_right_logical3A_164 : i32 to vector<16xi32>
      %shift_right_logical3A_166 = arith.shrui %get3A_163, %shift_right_logical3A_165 : vector<16xi32>
      %and3A_167 = arith.constant 2047 : i32
      %and3A_168 = vector.broadcast %and3A_167 : i32 to vector<16xi32>
      %and3A_169 = arith.andi %shift_right_logical3A_166, %and3A_168 : vector<16xi32>
      %gather3A_170 = tpu.vector_load_idx %arg10[%and3A_169] : memref<2048xi32, #tpu.memory_space<vmem>>[vector<16xi32>], vector<16xi32>,
      %broadcast_in_dim3A_171 = arith.constant true
      %broadcast_in_dim3A_172 = vector.broadcast %broadcast_in_dim3A_171 : i1 to vector<16xi1>
      %unique3A_173, %unique3A_174 = tpu.scan_count mask(%broadcast_in_dim3A_172 : vector<16xi1>) value(%and3A_169 : vector<16xi32>) : vector<16xi1>, vector<16xi32>
      %add3A_175 = arith.addi %gather3A_170, %unique3A_174 : vector<16xi32>
      tpu.vector_store_idx %arg10[%and3A_169], %add3A_175 masked %unique3A_173 : memref<2048xi32, #tpu.memory_space<vmem>>[vector<16xi32>], vector<16xi32>, vector<16xi1>
      %scan3A_176 = arith.constant 2 : i32
      %scan3A_177 = arith.addi %scan3A_139, %scan3A_176 : i32
      %mul3A_178 = arith.constant 1 : i32
      %mul3A_179 = arith.muli %scan3A_177, %mul3A_178 : i32
      %add3A_180 = arith.constant 0 : i32
      %add3A_181 = arith.addi %add3A_180, %mul3A_179 : i32
      %mul3A_182 = arith.constant 16 : i32
      %mul3A_183 = arith.muli %add3A_181, %mul3A_182 : i32
      %get3A_184 = arith.index_cast %mul3A_183 : i32 to index
      %get3A_185 = tpu.vector_load %arg8[%get3A_184] {strides = array<i32>} : memref<4096xi32, #tpu.memory_space<vmem>>, vector<16xi32>,
      %shift_right_logical3A_186 = arith.constant 11 : i32
      %shift_right_logical3A_187 = vector.broadcast %shift_right_logical3A_186 : i32 to vector<16xi32>
      %shift_right_logical3A_188 = arith.shrui %get3A_185, %shift_right_logical3A_187 : vector<16xi32>
      %and3A_189 = arith.constant 2047 : i32
      %and3A_190 = vector.broadcast %and3A_189 : i32 to vector<16xi32>
      %and3A_191 = arith.andi %shift_right_logical3A_188, %and3A_190 : vector<16xi32>
      %gather3A_192 = tpu.vector_load_idx %arg10[%and3A_191] : memref<2048xi32, #tpu.memory_space<vmem>>[vector<16xi32>], vector<16xi32>,
      %broadcast_in_dim3A_193 = arith.constant true
      %broadcast_in_dim3A_194 = vector.broadcast %broadcast_in_dim3A_193 : i1 to vector<16xi1>
      %unique3A_195, %unique3A_196 = tpu.scan_count mask(%broadcast_in_dim3A_194 : vector<16xi1>) value(%and3A_191 : vector<16xi32>) : vector<16xi1>, vector<16xi32>
      %add3A_197 = arith.addi %gather3A_192, %unique3A_196 : vector<16xi32>
      tpu.vector_store_idx %arg10[%and3A_191], %add3A_197 masked %unique3A_195 : memref<2048xi32, #tpu.memory_space<vmem>>[vector<16xi32>], vector<16xi32>, vector<16xi1>
      %scan3A_198 = arith.constant 3 : i32
      %scan3A_199 = arith.addi %scan3A_139, %scan3A_198 : i32
      %mul3A_200 = arith.constant 1 : i32
      %mul3A_201 = arith.muli %scan3A_199, %mul3A_200 : i32
      %add3A_202 = arith.constant 0 : i32
      %add3A_203 = arith.addi %add3A_202, %mul3A_201 : i32
      %mul3A_204 = arith.constant 16 : i32
      %mul3A_205 = arith.muli %add3A_203, %mul3A_204 : i32
      %get3A_206 = arith.index_cast %mul3A_205 : i32 to index
      %get3A_207 = tpu.vector_load %arg8[%get3A_206] {strides = array<i32>} : memref<4096xi32, #tpu.memory_space<vmem>>, vector<16xi32>,
      %shift_right_logical3A_208 = arith.constant 11 : i32
      %shift_right_logical3A_209 = vector.broadcast %shift_right_logical3A_208 : i32 to vector<16xi32>
      %shift_right_logical3A_210 = arith.shrui %get3A_207, %shift_right_logical3A_209 : vector<16xi32>
      %and3A_211 = arith.constant 2047 : i32
      %and3A_212 = vector.broadcast %and3A_211 : i32 to vector<16xi32>
      %and3A_213 = arith.andi %shift_right_logical3A_210, %and3A_212 : vector<16xi32>
      %gather3A_214 = tpu.vector_load_idx %arg10[%and3A_213] : memref<2048xi32, #tpu.memory_space<vmem>>[vector<16xi32>], vector<16xi32>,
      %broadcast_in_dim3A_215 = arith.constant true
      %broadcast_in_dim3A_216 = vector.broadcast %broadcast_in_dim3A_215 : i1 to vector<16xi1>
      %unique3A_217, %unique3A_218 = tpu.scan_count mask(%broadcast_in_dim3A_216 : vector<16xi1>) value(%and3A_213 : vector<16xi32>) : vector<16xi1>, vector<16xi32>
      %add3A_219 = arith.addi %gather3A_214, %unique3A_218 : vector<16xi32>
      tpu.vector_store_idx %arg10[%and3A_213], %add3A_219 masked %unique3A_217 : memref<2048xi32, #tpu.memory_space<vmem>>[vector<16xi32>], vector<16xi32>, vector<16xi1>
    }
    %scan3A_33 = arith.constant 256 : i32
    %scan3A_34 = arith.constant 0 : i32
    %scan3A_35 = arith.constant 0 : i32
    %scan3A_36 = arith.constant 128 : i32
    %scan3A_37 = arith.addi %scan3A_35, %scan3A_36 : i32
    %scan3A_38 = arith.constant 2 : i32
    %scan3A_39 = scf.for %scan3A_139 = %scan3A_35 to %scan3A_37 step %scan3A_38 iter_args(%scan3A_140 = %scan3A_34) -> (i32)  : i32 {
      %mul3A_141 = arith.constant 1 : i32
      %mul3A_142 = arith.muli %scan3A_139, %mul3A_141 : i32
      %add3A_143 = arith.constant 0 : i32
      %add3A_144 = arith.addi %add3A_143, %mul3A_142 : i32
      %mul3A_145 = arith.constant 16 : i32
      %mul3A_146 = arith.muli %add3A_144, %mul3A_145 : i32
      %get3A = arith.index_cast %mul3A_146 : i32 to index
      %get3A_147 = tpu.vector_load %arg10[%get3A] {strides = array<i32>} : memref<2048xi32, #tpu.memory_space<vmem>>, vector<16xi32>,
      %broadcast_in_dim3A = arith.constant true
      %broadcast_in_dim3A_148 = vector.broadcast %broadcast_in_dim3A : i1 to vector<16xi1>
      %masked_cumsum3A = tpu.scan <sum>, %get3A_147 masked %broadcast_in_dim3A_148 : vector<16xi32>, vector<16xi1> -> vector<16xi32>
      %sub3A = arith.subi %masked_cumsum3A, %get3A_147 : vector<16xi32>
      %add3A_149 = vector.broadcast %scan3A_140 : i32 to vector<16xi32>
      %add3A_150 = arith.addi %sub3A, %add3A_149 : vector<16xi32>
      %mul3A_151 = arith.constant 16 : i32
      %mul3A_152 = arith.muli %add3A_144, %mul3A_151 : i32
      %swap3A = arith.index_cast %mul3A_152 : i32 to index
      %swap3A_153 = tpu.vector_load %arg10[%swap3A] {strides = array<i32>} : memref<2048xi32, #tpu.memory_space<vmem>>, vector<16xi32>,
      tpu.vector_store %arg10[%swap3A], %add3A_150 {strides = array<i32>} : memref<2048xi32, #tpu.memory_space<vmem>>, vector<16xi32>,
      %reduce_sum3A = arith.constant true
      %reduce_sum3A_154 = vector.broadcast %reduce_sum3A : i1 to vector<16xi1>
      %reduce_sum3A_155 = tpu.scan <sum>, %get3A_147 masked %reduce_sum3A_154 : vector<16xi32>, vector<16xi1> -> vector<16xi32>
      %reduce_sum3A_156 = vector.extract %reduce_sum3A_155[15] : i32 from vector<16xi32>
      %add3A_157 = arith.addi %scan3A_140, %reduce_sum3A_156 : i32
      %scan3A_158 = arith.constant 1 : i32
      %scan3A_159 = arith.addi %scan3A_139, %scan3A_158 : i32
      %mul3A_160 = arith.constant 1 : i32
      %mul3A_161 = arith.muli %scan3A_159, %mul3A_160 : i32
      %add3A_162 = arith.constant 0 : i32
      %add3A_163 = arith.addi %add3A_162, %mul3A_161 : i32
      %mul3A_164 = arith.constant 16 : i32
      %mul3A_165 = arith.muli %add3A_163, %mul3A_164 : i32
      %get3A_166 = arith.index_cast %mul3A_165 : i32 to index
      %get3A_167 = tpu.vector_load %arg10[%get3A_166] {strides = array<i32>} : memref<2048xi32, #tpu.memory_space<vmem>>, vector<16xi32>,
      %broadcast_in_dim3A_168 = arith.constant true
      %broadcast_in_dim3A_169 = vector.broadcast %broadcast_in_dim3A_168 : i1 to vector<16xi1>
      %masked_cumsum3A_170 = tpu.scan <sum>, %get3A_167 masked %broadcast_in_dim3A_169 : vector<16xi32>, vector<16xi1> -> vector<16xi32>
      %sub3A_171 = arith.subi %masked_cumsum3A_170, %get3A_167 : vector<16xi32>
      %add3A_172 = vector.broadcast %add3A_157 : i32 to vector<16xi32>
      %add3A_173 = arith.addi %sub3A_171, %add3A_172 : vector<16xi32>
      %mul3A_174 = arith.constant 16 : i32
      %mul3A_175 = arith.muli %add3A_163, %mul3A_174 : i32
      %swap3A_176 = arith.index_cast %mul3A_175 : i32 to index
      %swap3A_177 = tpu.vector_load %arg10[%swap3A_176] {strides = array<i32>} : memref<2048xi32, #tpu.memory_space<vmem>>, vector<16xi32>,
      tpu.vector_store %arg10[%swap3A_176], %add3A_173 {strides = array<i32>} : memref<2048xi32, #tpu.memory_space<vmem>>, vector<16xi32>,
      %reduce_sum3A_178 = arith.constant true
      %reduce_sum3A_179 = vector.broadcast %reduce_sum3A_178 : i1 to vector<16xi1>
      %reduce_sum3A_180 = tpu.scan <sum>, %get3A_167 masked %reduce_sum3A_179 : vector<16xi32>, vector<16xi1> -> vector<16xi32>
      %reduce_sum3A_181 = vector.extract %reduce_sum3A_180[15] : i32 from vector<16xi32>
      %add3A_182 = arith.addi %add3A_157, %reduce_sum3A_181 : i32
      scf.yield %add3A_182 : i32
    }
    %scan3A_40 = arith.constant 128 : i32
    %scan3A_41 = arith.constant 0 : i32
    %scan3A_42 = arith.constant 256 : i32
    %scan3A_43 = arith.addi %scan3A_41, %scan3A_42 : i32
    %scan3A_44 = arith.constant 4 : i32
    scf.for %scan3A_139 = %scan3A_41 to %scan3A_43 step %scan3A_44  : i32 {
      %mul3A_140 = arith.constant 1 : i32
      %mul3A_141 = arith.muli %scan3A_139, %mul3A_140 : i32
      %add3A_142 = arith.constant 0 : i32
      %add3A_143 = arith.addi %add3A_142, %mul3A_141 : i32
      %mul3A_144 = arith.constant 16 : i32
      %mul3A_145 = arith.muli %add3A_143, %mul3A_144 : i32
      %get3A = arith.index_cast %mul3A_145 : i32 to index
      %get3A_146 = tpu.vector_load %arg8[%get3A] {strides = array<i32>} : memref<4096xi32, #tpu.memory_space<vmem>>, vector<16xi32>,
      %mul3A_147 = arith.constant 16 : i32
      %mul3A_148 = arith.muli %add3A_143, %mul3A_147 : i32
      %get3A_149 = arith.index_cast %mul3A_148 : i32 to index
      %get3A_150 = tpu.vector_load %arg9[%get3A_149] {strides = array<i32>} : memref<4096xi32, #tpu.memory_space<vmem>>, vector<16xi32>,
      %shift_right_logical3A = arith.constant 11 : i32
      %shift_right_logical3A_151 = vector.broadcast %shift_right_logical3A : i32 to vector<16xi32>
      %shift_right_logical3A_152 = arith.shrui %get3A_146, %shift_right_logical3A_151 : vector<16xi32>
      %and3A = arith.constant 2047 : i32
      %and3A_153 = vector.broadcast %and3A : i32 to vector<16xi32>
      %and3A_154 = arith.andi %shift_right_logical3A_152, %and3A_153 : vector<16xi32>
      %gather3A = tpu.vector_load_idx %arg10[%and3A_154] : memref<2048xi32, #tpu.memory_space<vmem>>[vector<16xi32>], vector<16xi32>,
      %broadcast_in_dim3A = arith.constant true
      %broadcast_in_dim3A_155 = vector.broadcast %broadcast_in_dim3A : i1 to vector<16xi1>
      %unique3A, %unique3A_156 = tpu.scan_count mask(%broadcast_in_dim3A_155 : vector<16xi1>) value(%and3A_154 : vector<16xi32>) : vector<16xi1>, vector<16xi32>
      %add3A_157 = arith.addi %gather3A, %unique3A_156 : vector<16xi32>
      %sub3A = arith.constant 1 : i32
      %sub3A_158 = vector.broadcast %sub3A : i32 to vector<16xi32>
      %sub3A_159 = arith.subi %add3A_157, %sub3A_158 : vector<16xi32>
      tpu.vector_store_idx %arg6[%sub3A_159], %get3A_146 : memref<4096xi32, #tpu.memory_space<vmem>>[vector<16xi32>], vector<16xi32>,
      tpu.vector_store_idx %arg7[%sub3A_159], %get3A_150 : memref<4096xi32, #tpu.memory_space<vmem>>[vector<16xi32>], vector<16xi32>,
      %add3A_160 = arith.addi %gather3A, %unique3A_156 : vector<16xi32>
      tpu.vector_store_idx %arg10[%and3A_154], %add3A_160 masked %unique3A : memref<2048xi32, #tpu.memory_space<vmem>>[vector<16xi32>], vector<16xi32>, vector<16xi1>
      %scan3A_161 = arith.constant 1 : i32
      %scan3A_162 = arith.addi %scan3A_139, %scan3A_161 : i32
      %mul3A_163 = arith.constant 1 : i32
      %mul3A_164 = arith.muli %scan3A_162, %mul3A_163 : i32
      %add3A_165 = arith.constant 0 : i32
      %add3A_166 = arith.addi %add3A_165, %mul3A_164 : i32
      %mul3A_167 = arith.constant 16 : i32
      %mul3A_168 = arith.muli %add3A_166, %mul3A_167 : i32
      %get3A_169 = arith.index_cast %mul3A_168 : i32 to index
      %get3A_170 = tpu.vector_load %arg8[%get3A_169] {strides = array<i32>} : memref<4096xi32, #tpu.memory_space<vmem>>, vector<16xi32>,
      %mul3A_171 = arith.constant 16 : i32
      %mul3A_172 = arith.muli %add3A_166, %mul3A_171 : i32
      %get3A_173 = arith.index_cast %mul3A_172 : i32 to index
      %get3A_174 = tpu.vector_load %arg9[%get3A_173] {strides = array<i32>} : memref<4096xi32, #tpu.memory_space<vmem>>, vector<16xi32>,
      %shift_right_logical3A_175 = arith.constant 11 : i32
      %shift_right_logical3A_176 = vector.broadcast %shift_right_logical3A_175 : i32 to vector<16xi32>
      %shift_right_logical3A_177 = arith.shrui %get3A_170, %shift_right_logical3A_176 : vector<16xi32>
      %and3A_178 = arith.constant 2047 : i32
      %and3A_179 = vector.broadcast %and3A_178 : i32 to vector<16xi32>
      %and3A_180 = arith.andi %shift_right_logical3A_177, %and3A_179 : vector<16xi32>
      %gather3A_181 = tpu.vector_load_idx %arg10[%and3A_180] : memref<2048xi32, #tpu.memory_space<vmem>>[vector<16xi32>], vector<16xi32>,
      %broadcast_in_dim3A_182 = arith.constant true
      %broadcast_in_dim3A_183 = vector.broadcast %broadcast_in_dim3A_182 : i1 to vector<16xi1>
      %unique3A_184, %unique3A_185 = tpu.scan_count mask(%broadcast_in_dim3A_183 : vector<16xi1>) value(%and3A_180 : vector<16xi32>) : vector<16xi1>, vector<16xi32>
      %add3A_186 = arith.addi %gather3A_181, %unique3A_185 : vector<16xi32>
      %sub3A_187 = arith.constant 1 : i32
      %sub3A_188 = vector.broadcast %sub3A_187 : i32 to vector<16xi32>
      %sub3A_189 = arith.subi %add3A_186, %sub3A_188 : vector<16xi32>
      tpu.vector_store_idx %arg6[%sub3A_189], %get3A_170 : memref<4096xi32, #tpu.memory_space<vmem>>[vector<16xi32>], vector<16xi32>,
      tpu.vector_store_idx %arg7[%sub3A_189], %get3A_174 : memref<4096xi32, #tpu.memory_space<vmem>>[vector<16xi32>], vector<16xi32>,
      %add3A_190 = arith.addi %gather3A_181, %unique3A_185 : vector<16xi32>
      tpu.vector_store_idx %arg10[%and3A_180], %add3A_190 masked %unique3A_184 : memref<2048xi32, #tpu.memory_space<vmem>>[vector<16xi32>], vector<16xi32>, vector<16xi1>
      %scan3A_191 = arith.constant 2 : i32
      %scan3A_192 = arith.addi %scan3A_139, %scan3A_191 : i32
      %mul3A_193 = arith.constant 1 : i32
      %mul3A_194 = arith.muli %scan3A_192, %mul3A_193 : i32
      %add3A_195 = arith.constant 0 : i32
      %add3A_196 = arith.addi %add3A_195, %mul3A_194 : i32
      %mul3A_197 = arith.constant 16 : i32
      %mul3A_198 = arith.muli %add3A_196, %mul3A_197 : i32
      %get3A_199 = arith.index_cast %mul3A_198 : i32 to index
      %get3A_200 = tpu.vector_load %arg8[%get3A_199] {strides = array<i32>} : memref<4096xi32, #tpu.memory_space<vmem>>, vector<16xi32>,
      %mul3A_201 = arith.constant 16 : i32
      %mul3A_202 = arith.muli %add3A_196, %mul3A_201 : i32
      %get3A_203 = arith.index_cast %mul3A_202 : i32 to index
      %get3A_204 = tpu.vector_load %arg9[%get3A_203] {strides = array<i32>} : memref<4096xi32, #tpu.memory_space<vmem>>, vector<16xi32>,
      %shift_right_logical3A_205 = arith.constant 11 : i32
      %shift_right_logical3A_206 = vector.broadcast %shift_right_logical3A_205 : i32 to vector<16xi32>
      %shift_right_logical3A_207 = arith.shrui %get3A_200, %shift_right_logical3A_206 : vector<16xi32>
      %and3A_208 = arith.constant 2047 : i32
      %and3A_209 = vector.broadcast %and3A_208 : i32 to vector<16xi32>
      %and3A_210 = arith.andi %shift_right_logical3A_207, %and3A_209 : vector<16xi32>
      %gather3A_211 = tpu.vector_load_idx %arg10[%and3A_210] : memref<2048xi32, #tpu.memory_space<vmem>>[vector<16xi32>], vector<16xi32>,
      %broadcast_in_dim3A_212 = arith.constant true
      %broadcast_in_dim3A_213 = vector.broadcast %broadcast_in_dim3A_212 : i1 to vector<16xi1>
      %unique3A_214, %unique3A_215 = tpu.scan_count mask(%broadcast_in_dim3A_213 : vector<16xi1>) value(%and3A_210 : vector<16xi32>) : vector<16xi1>, vector<16xi32>
      %add3A_216 = arith.addi %gather3A_211, %unique3A_215 : vector<16xi32>
      %sub3A_217 = arith.constant 1 : i32
      %sub3A_218 = vector.broadcast %sub3A_217 : i32 to vector<16xi32>
      %sub3A_219 = arith.subi %add3A_216, %sub3A_218 : vector<16xi32>
      tpu.vector_store_idx %arg6[%sub3A_219], %get3A_200 : memref<4096xi32, #tpu.memory_space<vmem>>[vector<16xi32>], vector<16xi32>,
      tpu.vector_store_idx %arg7[%sub3A_219], %get3A_204 : memref<4096xi32, #tpu.memory_space<vmem>>[vector<16xi32>], vector<16xi32>,
      %add3A_220 = arith.addi %gather3A_211, %unique3A_215 : vector<16xi32>
      tpu.vector_store_idx %arg10[%and3A_210], %add3A_220 masked %unique3A_214 : memref<2048xi32, #tpu.memory_space<vmem>>[vector<16xi32>], vector<16xi32>, vector<16xi1>
      %scan3A_221 = arith.constant 3 : i32
      %scan3A_222 = arith.addi %scan3A_139, %scan3A_221 : i32
      %mul3A_223 = arith.constant 1 : i32
      %mul3A_224 = arith.muli %scan3A_222, %mul3A_223 : i32
      %add3A_225 = arith.constant 0 : i32
      %add3A_226 = arith.addi %add3A_225, %mul3A_224 : i32
      %mul3A_227 = arith.constant 16 : i32
      %mul3A_228 = arith.muli %add3A_226, %mul3A_227 : i32
      %get3A_229 = arith.index_cast %mul3A_228 : i32 to index
      %get3A_230 = tpu.vector_load %arg8[%get3A_229] {strides = array<i32>} : memref<4096xi32, #tpu.memory_space<vmem>>, vector<16xi32>,
      %mul3A_231 = arith.constant 16 : i32
      %mul3A_232 = arith.muli %add3A_226, %mul3A_231 : i32
      %get3A_233 = arith.index_cast %mul3A_232 : i32 to index
      %get3A_234 = tpu.vector_load %arg9[%get3A_233] {strides = array<i32>} : memref<4096xi32, #tpu.memory_space<vmem>>, vector<16xi32>,
      %shift_right_logical3A_235 = arith.constant 11 : i32
      %shift_right_logical3A_236 = vector.broadcast %shift_right_logical3A_235 : i32 to vector<16xi32>
      %shift_right_logical3A_237 = arith.shrui %get3A_230, %shift_right_logical3A_236 : vector<16xi32>
      %and3A_238 = arith.constant 2047 : i32
      %and3A_239 = vector.broadcast %and3A_238 : i32 to vector<16xi32>
      %and3A_240 = arith.andi %shift_right_logical3A_237, %and3A_239 : vector<16xi32>
      %gather3A_241 = tpu.vector_load_idx %arg10[%and3A_240] : memref<2048xi32, #tpu.memory_space<vmem>>[vector<16xi32>], vector<16xi32>,
      %broadcast_in_dim3A_242 = arith.constant true
      %broadcast_in_dim3A_243 = vector.broadcast %broadcast_in_dim3A_242 : i1 to vector<16xi1>
      %unique3A_244, %unique3A_245 = tpu.scan_count mask(%broadcast_in_dim3A_243 : vector<16xi1>) value(%and3A_240 : vector<16xi32>) : vector<16xi1>, vector<16xi32>
      %add3A_246 = arith.addi %gather3A_241, %unique3A_245 : vector<16xi32>
      %sub3A_247 = arith.constant 1 : i32
      %sub3A_248 = vector.broadcast %sub3A_247 : i32 to vector<16xi32>
      %sub3A_249 = arith.subi %add3A_246, %sub3A_248 : vector<16xi32>
      tpu.vector_store_idx %arg6[%sub3A_249], %get3A_230 : memref<4096xi32, #tpu.memory_space<vmem>>[vector<16xi32>], vector<16xi32>,
      tpu.vector_store_idx %arg7[%sub3A_249], %get3A_234 : memref<4096xi32, #tpu.memory_space<vmem>>[vector<16xi32>], vector<16xi32>,
      %add3A_250 = arith.addi %gather3A_241, %unique3A_245 : vector<16xi32>
      tpu.vector_store_idx %arg10[%and3A_240], %add3A_250 masked %unique3A_244 : memref<2048xi32, #tpu.memory_space<vmem>>[vector<16xi32>], vector<16xi32>, vector<16xi1>
    }
    %scan3A_45 = arith.constant 256 : i32
    %scan3A_46 = arith.constant 0 : i32
    %scan3A_47 = arith.constant 128 : i32
    %scan3A_48 = arith.addi %scan3A_46, %scan3A_47 : i32
    %scan3A_49 = arith.constant 8 : i32
    scf.for %scan3A_139 = %scan3A_46 to %scan3A_48 step %scan3A_49  : i32 {
      %mul3A_140 = arith.constant 1 : i32
      %mul3A_141 = arith.muli %scan3A_139, %mul3A_140 : i32
      %add3A_142 = arith.constant 0 : i32
      %add3A_143 = arith.addi %add3A_142, %mul3A_141 : i32
      %broadcast_in_dim3A = arith.constant 0 : i32
      %broadcast_in_dim3A_144 = vector.broadcast %broadcast_in_dim3A : i32 to vector<16xi32>
      %mul3A_145 = arith.constant 16 : i32
      %mul3A_146 = arith.muli %add3A_143, %mul3A_145 : i32
      %swap3A = arith.index_cast %mul3A_146 : i32 to index
      %swap3A_147 = tpu.vector_load %arg10[%swap3A] {strides = array<i32>} : memref<2048xi32, #tpu.memory_space<vmem>>, vector<16xi32>,
      tpu.vector_store %arg10[%swap3A], %broadcast_in_dim3A_144 {strides = array<i32>} : memref<2048xi32, #tpu.memory_space<vmem>>, vector<16xi32>,
      %scan3A_148 = arith.constant 1 : i32
      %scan3A_149 = arith.addi %scan3A_139, %scan3A_148 : i32
      %mul3A_150 = arith.constant 1 : i32
      %mul3A_151 = arith.muli %scan3A_149, %mul3A_150 : i32
      %add3A_152 = arith.constant 0 : i32
      %add3A_153 = arith.addi %add3A_152, %mul3A_151 : i32
      %broadcast_in_dim3A_154 = arith.constant 0 : i32
      %broadcast_in_dim3A_155 = vector.broadcast %broadcast_in_dim3A_154 : i32 to vector<16xi32>
      %mul3A_156 = arith.constant 16 : i32
      %mul3A_157 = arith.muli %add3A_153, %mul3A_156 : i32
      %swap3A_158 = arith.index_cast %mul3A_157 : i32 to index
      %swap3A_159 = tpu.vector_load %arg10[%swap3A_158] {strides = array<i32>} : memref<2048xi32, #tpu.memory_space<vmem>>, vector<16xi32>,
      tpu.vector_store %arg10[%swap3A_158], %broadcast_in_dim3A_155 {strides = array<i32>} : memref<2048xi32, #tpu.memory_space<vmem>>, vector<16xi32>,
      %scan3A_160 = arith.constant 2 : i32
      %scan3A_161 = arith.addi %scan3A_139, %scan3A_160 : i32
      %mul3A_162 = arith.constant 1 : i32
      %mul3A_163 = arith.muli %scan3A_161, %mul3A_162 : i32
      %add3A_164 = arith.constant 0 : i32
      %add3A_165 = arith.addi %add3A_164, %mul3A_163 : i32
      %broadcast_in_dim3A_166 = arith.constant 0 : i32
      %broadcast_in_dim3A_167 = vector.broadcast %broadcast_in_dim3A_166 : i32 to vector<16xi32>
      %mul3A_168 = arith.constant 16 : i32
      %mul3A_169 = arith.muli %add3A_165, %mul3A_168 : i32
      %swap3A_170 = arith.index_cast %mul3A_169 : i32 to index
      %swap3A_171 = tpu.vector_load %arg10[%swap3A_170] {strides = array<i32>} : memref<2048xi32, #tpu.memory_space<vmem>>, vector<16xi32>,
      tpu.vector_store %arg10[%swap3A_170], %broadcast_in_dim3A_167 {strides = array<i32>} : memref<2048xi32, #tpu.memory_space<vmem>>, vector<16xi32>,
      %scan3A_172 = arith.constant 3 : i32
      %scan3A_173 = arith.addi %scan3A_139, %scan3A_172 : i32
      %mul3A_174 = arith.constant 1 : i32
      %mul3A_175 = arith.muli %scan3A_173, %mul3A_174 : i32
      %add3A_176 = arith.constant 0 : i32
      %add3A_177 = arith.addi %add3A_176, %mul3A_175 : i32
      %broadcast_in_dim3A_178 = arith.constant 0 : i32
      %broadcast_in_dim3A_179 = vector.broadcast %broadcast_in_dim3A_178 : i32 to vector<16xi32>
      %mul3A_180 = arith.constant 16 : i32
      %mul3A_181 = arith.muli %add3A_177, %mul3A_180 : i32
      %swap3A_182 = arith.index_cast %mul3A_181 : i32 to index
      %swap3A_183 = tpu.vector_load %arg10[%swap3A_182] {strides = array<i32>} : memref<2048xi32, #tpu.memory_space<vmem>>, vector<16xi32>,
      tpu.vector_store %arg10[%swap3A_182], %broadcast_in_dim3A_179 {strides = array<i32>} : memref<2048xi32, #tpu.memory_space<vmem>>, vector<16xi32>,
      %scan3A_184 = arith.constant 4 : i32
      %scan3A_185 = arith.addi %scan3A_139, %scan3A_184 : i32
      %mul3A_186 = arith.constant 1 : i32
      %mul3A_187 = arith.muli %scan3A_185, %mul3A_186 : i32
      %add3A_188 = arith.constant 0 : i32
      %add3A_189 = arith.addi %add3A_188, %mul3A_187 : i32
      %broadcast_in_dim3A_190 = arith.constant 0 : i32
      %broadcast_in_dim3A_191 = vector.broadcast %broadcast_in_dim3A_190 : i32 to vector<16xi32>
      %mul3A_192 = arith.constant 16 : i32
      %mul3A_193 = arith.muli %add3A_189, %mul3A_192 : i32
      %swap3A_194 = arith.index_cast %mul3A_193 : i32 to index
      %swap3A_195 = tpu.vector_load %arg10[%swap3A_194] {strides = array<i32>} : memref<2048xi32, #tpu.memory_space<vmem>>, vector<16xi32>,
      tpu.vector_store %arg10[%swap3A_194], %broadcast_in_dim3A_191 {strides = array<i32>} : memref<2048xi32, #tpu.memory_space<vmem>>, vector<16xi32>,
      %scan3A_196 = arith.constant 5 : i32
      %scan3A_197 = arith.addi %scan3A_139, %scan3A_196 : i32
      %mul3A_198 = arith.constant 1 : i32
      %mul3A_199 = arith.muli %scan3A_197, %mul3A_198 : i32
      %add3A_200 = arith.constant 0 : i32
      %add3A_201 = arith.addi %add3A_200, %mul3A_199 : i32
      %broadcast_in_dim3A_202 = arith.constant 0 : i32
      %broadcast_in_dim3A_203 = vector.broadcast %broadcast_in_dim3A_202 : i32 to vector<16xi32>
      %mul3A_204 = arith.constant 16 : i32
      %mul3A_205 = arith.muli %add3A_201, %mul3A_204 : i32
      %swap3A_206 = arith.index_cast %mul3A_205 : i32 to index
      %swap3A_207 = tpu.vector_load %arg10[%swap3A_206] {strides = array<i32>} : memref<2048xi32, #tpu.memory_space<vmem>>, vector<16xi32>,
      tpu.vector_store %arg10[%swap3A_206], %broadcast_in_dim3A_203 {strides = array<i32>} : memref<2048xi32, #tpu.memory_space<vmem>>, vector<16xi32>,
      %scan3A_208 = arith.constant 6 : i32
      %scan3A_209 = arith.addi %scan3A_139, %scan3A_208 : i32
      %mul3A_210 = arith.constant 1 : i32
      %mul3A_211 = arith.muli %scan3A_209, %mul3A_210 : i32
      %add3A_212 = arith.constant 0 : i32
      %add3A_213 = arith.addi %add3A_212, %mul3A_211 : i32
      %broadcast_in_dim3A_214 = arith.constant 0 : i32
      %broadcast_in_dim3A_215 = vector.broadcast %broadcast_in_dim3A_214 : i32 to vector<16xi32>
      %mul3A_216 = arith.constant 16 : i32
      %mul3A_217 = arith.muli %add3A_213, %mul3A_216 : i32
      %swap3A_218 = arith.index_cast %mul3A_217 : i32 to index
      %swap3A_219 = tpu.vector_load %arg10[%swap3A_218] {strides = array<i32>} : memref<2048xi32, #tpu.memory_space<vmem>>, vector<16xi32>,
      tpu.vector_store %arg10[%swap3A_218], %broadcast_in_dim3A_215 {strides = array<i32>} : memref<2048xi32, #tpu.memory_space<vmem>>, vector<16xi32>,
      %scan3A_220 = arith.constant 7 : i32
      %scan3A_221 = arith.addi %scan3A_139, %scan3A_220 : i32
      %mul3A_222 = arith.constant 1 : i32
      %mul3A_223 = arith.muli %scan3A_221, %mul3A_222 : i32
      %add3A_224 = arith.constant 0 : i32
      %add3A_225 = arith.addi %add3A_224, %mul3A_223 : i32
      %broadcast_in_dim3A_226 = arith.constant 0 : i32
      %broadcast_in_dim3A_227 = vector.broadcast %broadcast_in_dim3A_226 : i32 to vector<16xi32>
      %mul3A_228 = arith.constant 16 : i32
      %mul3A_229 = arith.muli %add3A_225, %mul3A_228 : i32
      %swap3A_230 = arith.index_cast %mul3A_229 : i32 to index
      %swap3A_231 = tpu.vector_load %arg10[%swap3A_230] {strides = array<i32>} : memref<2048xi32, #tpu.memory_space<vmem>>, vector<16xi32>,
      tpu.vector_store %arg10[%swap3A_230], %broadcast_in_dim3A_227 {strides = array<i32>} : memref<2048xi32, #tpu.memory_space<vmem>>, vector<16xi32>,
    }
    %scan3A_50 = arith.constant 128 : i32
    %scan3A_51 = arith.constant 0 : i32
    %scan3A_52 = arith.constant 256 : i32
    %scan3A_53 = arith.addi %scan3A_51, %scan3A_52 : i32
    %scan3A_54 = arith.constant 4 : i32
    scf.for %scan3A_139 = %scan3A_51 to %scan3A_53 step %scan3A_54  : i32 {
      %mul3A_140 = arith.constant 1 : i32
      %mul3A_141 = arith.muli %scan3A_139, %mul3A_140 : i32
      %add3A_142 = arith.constant 0 : i32
      %add3A_143 = arith.addi %add3A_142, %mul3A_141 : i32
      %mul3A_144 = arith.constant 16 : i32
      %mul3A_145 = arith.muli %add3A_143, %mul3A_144 : i32
      %get3A = arith.index_cast %mul3A_145 : i32 to index
      %get3A_146 = tpu.vector_load %arg6[%get3A] {strides = array<i32>} : memref<4096xi32, #tpu.memory_space<vmem>>, vector<16xi32>,
      %shift_right_logical3A = arith.constant 22 : i32
      %shift_right_logical3A_147 = vector.broadcast %shift_right_logical3A : i32 to vector<16xi32>
      %shift_right_logical3A_148 = arith.shrui %get3A_146, %shift_right_logical3A_147 : vector<16xi32>
      %and3A = arith.constant 2047 : i32
      %and3A_149 = vector.broadcast %and3A : i32 to vector<16xi32>
      %and3A_150 = arith.andi %shift_right_logical3A_148, %and3A_149 : vector<16xi32>
      %gather3A = tpu.vector_load_idx %arg10[%and3A_150] : memref<2048xi32, #tpu.memory_space<vmem>>[vector<16xi32>], vector<16xi32>,
      %broadcast_in_dim3A = arith.constant true
      %broadcast_in_dim3A_151 = vector.broadcast %broadcast_in_dim3A : i1 to vector<16xi1>
      %unique3A, %unique3A_152 = tpu.scan_count mask(%broadcast_in_dim3A_151 : vector<16xi1>) value(%and3A_150 : vector<16xi32>) : vector<16xi1>, vector<16xi32>
      %add3A_153 = arith.addi %gather3A, %unique3A_152 : vector<16xi32>
      tpu.vector_store_idx %arg10[%and3A_150], %add3A_153 masked %unique3A : memref<2048xi32, #tpu.memory_space<vmem>>[vector<16xi32>], vector<16xi32>, vector<16xi1>
      %scan3A_154 = arith.constant 1 : i32
      %scan3A_155 = arith.addi %scan3A_139, %scan3A_154 : i32
      %mul3A_156 = arith.constant 1 : i32
      %mul3A_157 = arith.muli %scan3A_155, %mul3A_156 : i32
      %add3A_158 = arith.constant 0 : i32
      %add3A_159 = arith.addi %add3A_158, %mul3A_157 : i32
      %mul3A_160 = arith.constant 16 : i32
      %mul3A_161 = arith.muli %add3A_159, %mul3A_160 : i32
      %get3A_162 = arith.index_cast %mul3A_161 : i32 to index
      %get3A_163 = tpu.vector_load %arg6[%get3A_162] {strides = array<i32>} : memref<4096xi32, #tpu.memory_space<vmem>>, vector<16xi32>,
      %shift_right_logical3A_164 = arith.constant 22 : i32
      %shift_right_logical3A_165 = vector.broadcast %shift_right_logical3A_164 : i32 to vector<16xi32>
      %shift_right_logical3A_166 = arith.shrui %get3A_163, %shift_right_logical3A_165 : vector<16xi32>
      %and3A_167 = arith.constant 2047 : i32
      %and3A_168 = vector.broadcast %and3A_167 : i32 to vector<16xi32>
      %and3A_169 = arith.andi %shift_right_logical3A_166, %and3A_168 : vector<16xi32>
      %gather3A_170 = tpu.vector_load_idx %arg10[%and3A_169] : memref<2048xi32, #tpu.memory_space<vmem>>[vector<16xi32>], vector<16xi32>,
      %broadcast_in_dim3A_171 = arith.constant true
      %broadcast_in_dim3A_172 = vector.broadcast %broadcast_in_dim3A_171 : i1 to vector<16xi1>
      %unique3A_173, %unique3A_174 = tpu.scan_count mask(%broadcast_in_dim3A_172 : vector<16xi1>) value(%and3A_169 : vector<16xi32>) : vector<16xi1>, vector<16xi32>
      %add3A_175 = arith.addi %gather3A_170, %unique3A_174 : vector<16xi32>
      tpu.vector_store_idx %arg10[%and3A_169], %add3A_175 masked %unique3A_173 : memref<2048xi32, #tpu.memory_space<vmem>>[vector<16xi32>], vector<16xi32>, vector<16xi1>
      %scan3A_176 = arith.constant 2 : i32
      %scan3A_177 = arith.addi %scan3A_139, %scan3A_176 : i32
      %mul3A_178 = arith.constant 1 : i32
      %mul3A_179 = arith.muli %scan3A_177, %mul3A_178 : i32
      %add3A_180 = arith.constant 0 : i32
      %add3A_181 = arith.addi %add3A_180, %mul3A_179 : i32
      %mul3A_182 = arith.constant 16 : i32
      %mul3A_183 = arith.muli %add3A_181, %mul3A_182 : i32
      %get3A_184 = arith.index_cast %mul3A_183 : i32 to index
      %get3A_185 = tpu.vector_load %arg6[%get3A_184] {strides = array<i32>} : memref<4096xi32, #tpu.memory_space<vmem>>, vector<16xi32>,
      %shift_right_logical3A_186 = arith.constant 22 : i32
      %shift_right_logical3A_187 = vector.broadcast %shift_right_logical3A_186 : i32 to vector<16xi32>
      %shift_right_logical3A_188 = arith.shrui %get3A_185, %shift_right_logical3A_187 : vector<16xi32>
      %and3A_189 = arith.constant 2047 : i32
      %and3A_190 = vector.broadcast %and3A_189 : i32 to vector<16xi32>
      %and3A_191 = arith.andi %shift_right_logical3A_188, %and3A_190 : vector<16xi32>
      %gather3A_192 = tpu.vector_load_idx %arg10[%and3A_191] : memref<2048xi32, #tpu.memory_space<vmem>>[vector<16xi32>], vector<16xi32>,
      %broadcast_in_dim3A_193 = arith.constant true
      %broadcast_in_dim3A_194 = vector.broadcast %broadcast_in_dim3A_193 : i1 to vector<16xi1>
      %unique3A_195, %unique3A_196 = tpu.scan_count mask(%broadcast_in_dim3A_194 : vector<16xi1>) value(%and3A_191 : vector<16xi32>) : vector<16xi1>, vector<16xi32>
      %add3A_197 = arith.addi %gather3A_192, %unique3A_196 : vector<16xi32>
      tpu.vector_store_idx %arg10[%and3A_191], %add3A_197 masked %unique3A_195 : memref<2048xi32, #tpu.memory_space<vmem>>[vector<16xi32>], vector<16xi32>, vector<16xi1>
      %scan3A_198 = arith.constant 3 : i32
      %scan3A_199 = arith.addi %scan3A_139, %scan3A_198 : i32
      %mul3A_200 = arith.constant 1 : i32
      %mul3A_201 = arith.muli %scan3A_199, %mul3A_200 : i32
      %add3A_202 = arith.constant 0 : i32
      %add3A_203 = arith.addi %add3A_202, %mul3A_201 : i32
      %mul3A_204 = arith.constant 16 : i32
      %mul3A_205 = arith.muli %add3A_203, %mul3A_204 : i32
      %get3A_206 = arith.index_cast %mul3A_205 : i32 to index
      %get3A_207 = tpu.vector_load %arg6[%get3A_206] {strides = array<i32>} : memref<4096xi32, #tpu.memory_space<vmem>>, vector<16xi32>,
      %shift_right_logical3A_208 = arith.constant 22 : i32
      %shift_right_logical3A_209 = vector.broadcast %shift_right_logical3A_208 : i32 to vector<16xi32>
      %shift_right_logical3A_210 = arith.shrui %get3A_207, %shift_right_logical3A_209 : vector<16xi32>
      %and3A_211 = arith.constant 2047 : i32
      %and3A_212 = vector.broadcast %and3A_211 : i32 to vector<16xi32>
      %and3A_213 = arith.andi %shift_right_logical3A_210, %and3A_212 : vector<16xi32>
      %gather3A_214 = tpu.vector_load_idx %arg10[%and3A_213] : memref<2048xi32, #tpu.memory_space<vmem>>[vector<16xi32>], vector<16xi32>,
      %broadcast_in_dim3A_215 = arith.constant true
      %broadcast_in_dim3A_216 = vector.broadcast %broadcast_in_dim3A_215 : i1 to vector<16xi1>
      %unique3A_217, %unique3A_218 = tpu.scan_count mask(%broadcast_in_dim3A_216 : vector<16xi1>) value(%and3A_213 : vector<16xi32>) : vector<16xi1>, vector<16xi32>
      %add3A_219 = arith.addi %gather3A_214, %unique3A_218 : vector<16xi32>
      tpu.vector_store_idx %arg10[%and3A_213], %add3A_219 masked %unique3A_217 : memref<2048xi32, #tpu.memory_space<vmem>>[vector<16xi32>], vector<16xi32>, vector<16xi1>
    }
    %scan3A_55 = arith.constant 256 : i32
    %scan3A_56 = arith.constant 0 : i32
    %scan3A_57 = arith.constant 0 : i32
    %scan3A_58 = arith.constant 128 : i32
    %scan3A_59 = arith.addi %scan3A_57, %scan3A_58 : i32
    %scan3A_60 = arith.constant 2 : i32
    %scan3A_61 = scf.for %scan3A_139 = %scan3A_57 to %scan3A_59 step %scan3A_60 iter_args(%scan3A_140 = %scan3A_56) -> (i32)  : i32 {
      %mul3A_141 = arith.constant 1 : i32
      %mul3A_142 = arith.muli %scan3A_139, %mul3A_141 : i32
      %add3A_143 = arith.constant 0 : i32
      %add3A_144 = arith.addi %add3A_143, %mul3A_142 : i32
      %mul3A_145 = arith.constant 16 : i32
      %mul3A_146 = arith.muli %add3A_144, %mul3A_145 : i32
      %get3A = arith.index_cast %mul3A_146 : i32 to index
      %get3A_147 = tpu.vector_load %arg10[%get3A] {strides = array<i32>} : memref<2048xi32, #tpu.memory_space<vmem>>, vector<16xi32>,
      %broadcast_in_dim3A = arith.constant true
      %broadcast_in_dim3A_148 = vector.broadcast %broadcast_in_dim3A : i1 to vector<16xi1>
      %masked_cumsum3A = tpu.scan <sum>, %get3A_147 masked %broadcast_in_dim3A_148 : vector<16xi32>, vector<16xi1> -> vector<16xi32>
      %sub3A = arith.subi %masked_cumsum3A, %get3A_147 : vector<16xi32>
      %add3A_149 = vector.broadcast %scan3A_140 : i32 to vector<16xi32>
      %add3A_150 = arith.addi %sub3A, %add3A_149 : vector<16xi32>
      %mul3A_151 = arith.constant 16 : i32
      %mul3A_152 = arith.muli %add3A_144, %mul3A_151 : i32
      %swap3A = arith.index_cast %mul3A_152 : i32 to index
      %swap3A_153 = tpu.vector_load %arg10[%swap3A] {strides = array<i32>} : memref<2048xi32, #tpu.memory_space<vmem>>, vector<16xi32>,
      tpu.vector_store %arg10[%swap3A], %add3A_150 {strides = array<i32>} : memref<2048xi32, #tpu.memory_space<vmem>>, vector<16xi32>,
      %reduce_sum3A = arith.constant true
      %reduce_sum3A_154 = vector.broadcast %reduce_sum3A : i1 to vector<16xi1>
      %reduce_sum3A_155 = tpu.scan <sum>, %get3A_147 masked %reduce_sum3A_154 : vector<16xi32>, vector<16xi1> -> vector<16xi32>
      %reduce_sum3A_156 = vector.extract %reduce_sum3A_155[15] : i32 from vector<16xi32>
      %add3A_157 = arith.addi %scan3A_140, %reduce_sum3A_156 : i32
      %scan3A_158 = arith.constant 1 : i32
      %scan3A_159 = arith.addi %scan3A_139, %scan3A_158 : i32
      %mul3A_160 = arith.constant 1 : i32
      %mul3A_161 = arith.muli %scan3A_159, %mul3A_160 : i32
      %add3A_162 = arith.constant 0 : i32
      %add3A_163 = arith.addi %add3A_162, %mul3A_161 : i32
      %mul3A_164 = arith.constant 16 : i32
      %mul3A_165 = arith.muli %add3A_163, %mul3A_164 : i32
      %get3A_166 = arith.index_cast %mul3A_165 : i32 to index
      %get3A_167 = tpu.vector_load %arg10[%get3A_166] {strides = array<i32>} : memref<2048xi32, #tpu.memory_space<vmem>>, vector<16xi32>,
      %broadcast_in_dim3A_168 = arith.constant true
      %broadcast_in_dim3A_169 = vector.broadcast %broadcast_in_dim3A_168 : i1 to vector<16xi1>
      %masked_cumsum3A_170 = tpu.scan <sum>, %get3A_167 masked %broadcast_in_dim3A_169 : vector<16xi32>, vector<16xi1> -> vector<16xi32>
      %sub3A_171 = arith.subi %masked_cumsum3A_170, %get3A_167 : vector<16xi32>
      %add3A_172 = vector.broadcast %add3A_157 : i32 to vector<16xi32>
      %add3A_173 = arith.addi %sub3A_171, %add3A_172 : vector<16xi32>
      %mul3A_174 = arith.constant 16 : i32
      %mul3A_175 = arith.muli %add3A_163, %mul3A_174 : i32
      %swap3A_176 = arith.index_cast %mul3A_175 : i32 to index
      %swap3A_177 = tpu.vector_load %arg10[%swap3A_176] {strides = array<i32>} : memref<2048xi32, #tpu.memory_space<vmem>>, vector<16xi32>,
      tpu.vector_store %arg10[%swap3A_176], %add3A_173 {strides = array<i32>} : memref<2048xi32, #tpu.memory_space<vmem>>, vector<16xi32>,
      %reduce_sum3A_178 = arith.constant true
      %reduce_sum3A_179 = vector.broadcast %reduce_sum3A_178 : i1 to vector<16xi1>
      %reduce_sum3A_180 = tpu.scan <sum>, %get3A_167 masked %reduce_sum3A_179 : vector<16xi32>, vector<16xi1> -> vector<16xi32>
      %reduce_sum3A_181 = vector.extract %reduce_sum3A_180[15] : i32 from vector<16xi32>
      %add3A_182 = arith.addi %add3A_157, %reduce_sum3A_181 : i32
      scf.yield %add3A_182 : i32
    }
    %scan3A_62 = arith.constant 128 : i32
    %scan3A_63 = arith.constant 0 : i32
    %scan3A_64 = arith.constant 256 : i32
    %scan3A_65 = arith.addi %scan3A_63, %scan3A_64 : i32
    %scan3A_66 = arith.constant 4 : i32
    scf.for %scan3A_139 = %scan3A_63 to %scan3A_65 step %scan3A_66  : i32 {
      %mul3A_140 = arith.constant 1 : i32
      %mul3A_141 = arith.muli %scan3A_139, %mul3A_140 : i32
      %add3A_142 = arith.constant 0 : i32
      %add3A_143 = arith.addi %add3A_142, %mul3A_141 : i32
      %mul3A_144 = arith.constant 16 : i32
      %mul3A_145 = arith.muli %add3A_143, %mul3A_144 : i32
      %get3A = arith.index_cast %mul3A_145 : i32 to index
      %get3A_146 = tpu.vector_load %arg6[%get3A] {strides = array<i32>} : memref<4096xi32, #tpu.memory_space<vmem>>, vector<16xi32>,
      %mul3A_147 = arith.constant 16 : i32
      %mul3A_148 = arith.muli %add3A_143, %mul3A_147 : i32
      %get3A_149 = arith.index_cast %mul3A_148 : i32 to index
      %get3A_150 = tpu.vector_load %arg7[%get3A_149] {strides = array<i32>} : memref<4096xi32, #tpu.memory_space<vmem>>, vector<16xi32>,
      %shift_right_logical3A = arith.constant 22 : i32
      %shift_right_logical3A_151 = vector.broadcast %shift_right_logical3A : i32 to vector<16xi32>
      %shift_right_logical3A_152 = arith.shrui %get3A_146, %shift_right_logical3A_151 : vector<16xi32>
      %and3A = arith.constant 2047 : i32
      %and3A_153 = vector.broadcast %and3A : i32 to vector<16xi32>
      %and3A_154 = arith.andi %shift_right_logical3A_152, %and3A_153 : vector<16xi32>
      %gather3A = tpu.vector_load_idx %arg10[%and3A_154] : memref<2048xi32, #tpu.memory_space<vmem>>[vector<16xi32>], vector<16xi32>,
      %broadcast_in_dim3A = arith.constant true
      %broadcast_in_dim3A_155 = vector.broadcast %broadcast_in_dim3A : i1 to vector<16xi1>
      %unique3A, %unique3A_156 = tpu.scan_count mask(%broadcast_in_dim3A_155 : vector<16xi1>) value(%and3A_154 : vector<16xi32>) : vector<16xi1>, vector<16xi32>
      %add3A_157 = arith.addi %gather3A, %unique3A_156 : vector<16xi32>
      %sub3A = arith.constant 1 : i32
      %sub3A_158 = vector.broadcast %sub3A : i32 to vector<16xi32>
      %sub3A_159 = arith.subi %add3A_157, %sub3A_158 : vector<16xi32>
      tpu.vector_store_idx %arg8[%sub3A_159], %get3A_146 : memref<4096xi32, #tpu.memory_space<vmem>>[vector<16xi32>], vector<16xi32>,
      tpu.vector_store_idx %arg9[%sub3A_159], %get3A_150 : memref<4096xi32, #tpu.memory_space<vmem>>[vector<16xi32>], vector<16xi32>,
      %add3A_160 = arith.addi %gather3A, %unique3A_156 : vector<16xi32>
      tpu.vector_store_idx %arg10[%and3A_154], %add3A_160 masked %unique3A : memref<2048xi32, #tpu.memory_space<vmem>>[vector<16xi32>], vector<16xi32>, vector<16xi1>
      %scan3A_161 = arith.constant 1 : i32
      %scan3A_162 = arith.addi %scan3A_139, %scan3A_161 : i32
      %mul3A_163 = arith.constant 1 : i32
      %mul3A_164 = arith.muli %scan3A_162, %mul3A_163 : i32
      %add3A_165 = arith.constant 0 : i32
      %add3A_166 = arith.addi %add3A_165, %mul3A_164 : i32
      %mul3A_167 = arith.constant 16 : i32
      %mul3A_168 = arith.muli %add3A_166, %mul3A_167 : i32
      %get3A_169 = arith.index_cast %mul3A_168 : i32 to index
      %get3A_170 = tpu.vector_load %arg6[%get3A_169] {strides = array<i32>} : memref<4096xi32, #tpu.memory_space<vmem>>, vector<16xi32>,
      %mul3A_171 = arith.constant 16 : i32
      %mul3A_172 = arith.muli %add3A_166, %mul3A_171 : i32
      %get3A_173 = arith.index_cast %mul3A_172 : i32 to index
      %get3A_174 = tpu.vector_load %arg7[%get3A_173] {strides = array<i32>} : memref<4096xi32, #tpu.memory_space<vmem>>, vector<16xi32>,
      %shift_right_logical3A_175 = arith.constant 22 : i32
      %shift_right_logical3A_176 = vector.broadcast %shift_right_logical3A_175 : i32 to vector<16xi32>
      %shift_right_logical3A_177 = arith.shrui %get3A_170, %shift_right_logical3A_176 : vector<16xi32>
      %and3A_178 = arith.constant 2047 : i32
      %and3A_179 = vector.broadcast %and3A_178 : i32 to vector<16xi32>
      %and3A_180 = arith.andi %shift_right_logical3A_177, %and3A_179 : vector<16xi32>
      %gather3A_181 = tpu.vector_load_idx %arg10[%and3A_180] : memref<2048xi32, #tpu.memory_space<vmem>>[vector<16xi32>], vector<16xi32>,
      %broadcast_in_dim3A_182 = arith.constant true
      %broadcast_in_dim3A_183 = vector.broadcast %broadcast_in_dim3A_182 : i1 to vector<16xi1>
      %unique3A_184, %unique3A_185 = tpu.scan_count mask(%broadcast_in_dim3A_183 : vector<16xi1>) value(%and3A_180 : vector<16xi32>) : vector<16xi1>, vector<16xi32>
      %add3A_186 = arith.addi %gather3A_181, %unique3A_185 : vector<16xi32>
      %sub3A_187 = arith.constant 1 : i32
      %sub3A_188 = vector.broadcast %sub3A_187 : i32 to vector<16xi32>
      %sub3A_189 = arith.subi %add3A_186, %sub3A_188 : vector<16xi32>
      tpu.vector_store_idx %arg8[%sub3A_189], %get3A_170 : memref<4096xi32, #tpu.memory_space<vmem>>[vector<16xi32>], vector<16xi32>,
      tpu.vector_store_idx %arg9[%sub3A_189], %get3A_174 : memref<4096xi32, #tpu.memory_space<vmem>>[vector<16xi32>], vector<16xi32>,
      %add3A_190 = arith.addi %gather3A_181, %unique3A_185 : vector<16xi32>
      tpu.vector_store_idx %arg10[%and3A_180], %add3A_190 masked %unique3A_184 : memref<2048xi32, #tpu.memory_space<vmem>>[vector<16xi32>], vector<16xi32>, vector<16xi1>
      %scan3A_191 = arith.constant 2 : i32
      %scan3A_192 = arith.addi %scan3A_139, %scan3A_191 : i32
      %mul3A_193 = arith.constant 1 : i32
      %mul3A_194 = arith.muli %scan3A_192, %mul3A_193 : i32
      %add3A_195 = arith.constant 0 : i32
      %add3A_196 = arith.addi %add3A_195, %mul3A_194 : i32
      %mul3A_197 = arith.constant 16 : i32
      %mul3A_198 = arith.muli %add3A_196, %mul3A_197 : i32
      %get3A_199 = arith.index_cast %mul3A_198 : i32 to index
      %get3A_200 = tpu.vector_load %arg6[%get3A_199] {strides = array<i32>} : memref<4096xi32, #tpu.memory_space<vmem>>, vector<16xi32>,
      %mul3A_201 = arith.constant 16 : i32
      %mul3A_202 = arith.muli %add3A_196, %mul3A_201 : i32
      %get3A_203 = arith.index_cast %mul3A_202 : i32 to index
      %get3A_204 = tpu.vector_load %arg7[%get3A_203] {strides = array<i32>} : memref<4096xi32, #tpu.memory_space<vmem>>, vector<16xi32>,
      %shift_right_logical3A_205 = arith.constant 22 : i32
      %shift_right_logical3A_206 = vector.broadcast %shift_right_logical3A_205 : i32 to vector<16xi32>
      %shift_right_logical3A_207 = arith.shrui %get3A_200, %shift_right_logical3A_206 : vector<16xi32>
      %and3A_208 = arith.constant 2047 : i32
      %and3A_209 = vector.broadcast %and3A_208 : i32 to vector<16xi32>
      %and3A_210 = arith.andi %shift_right_logical3A_207, %and3A_209 : vector<16xi32>
      %gather3A_211 = tpu.vector_load_idx %arg10[%and3A_210] : memref<2048xi32, #tpu.memory_space<vmem>>[vector<16xi32>], vector<16xi32>,
      %broadcast_in_dim3A_212 = arith.constant true
      %broadcast_in_dim3A_213 = vector.broadcast %broadcast_in_dim3A_212 : i1 to vector<16xi1>
      %unique3A_214, %unique3A_215 = tpu.scan_count mask(%broadcast_in_dim3A_213 : vector<16xi1>) value(%and3A_210 : vector<16xi32>) : vector<16xi1>, vector<16xi32>
      %add3A_216 = arith.addi %gather3A_211, %unique3A_215 : vector<16xi32>
      %sub3A_217 = arith.constant 1 : i32
      %sub3A_218 = vector.broadcast %sub3A_217 : i32 to vector<16xi32>
      %sub3A_219 = arith.subi %add3A_216, %sub3A_218 : vector<16xi32>
      tpu.vector_store_idx %arg8[%sub3A_219], %get3A_200 : memref<4096xi32, #tpu.memory_space<vmem>>[vector<16xi32>], vector<16xi32>,
      tpu.vector_store_idx %arg9[%sub3A_219], %get3A_204 : memref<4096xi32, #tpu.memory_space<vmem>>[vector<16xi32>], vector<16xi32>,
      %add3A_220 = arith.addi %gather3A_211, %unique3A_215 : vector<16xi32>
      tpu.vector_store_idx %arg10[%and3A_210], %add3A_220 masked %unique3A_214 : memref<2048xi32, #tpu.memory_space<vmem>>[vector<16xi32>], vector<16xi32>, vector<16xi1>
      %scan3A_221 = arith.constant 3 : i32
      %scan3A_222 = arith.addi %scan3A_139, %scan3A_221 : i32
      %mul3A_223 = arith.constant 1 : i32
      %mul3A_224 = arith.muli %scan3A_222, %mul3A_223 : i32
      %add3A_225 = arith.constant 0 : i32
      %add3A_226 = arith.addi %add3A_225, %mul3A_224 : i32
      %mul3A_227 = arith.constant 16 : i32
      %mul3A_228 = arith.muli %add3A_226, %mul3A_227 : i32
      %get3A_229 = arith.index_cast %mul3A_228 : i32 to index
      %get3A_230 = tpu.vector_load %arg6[%get3A_229] {strides = array<i32>} : memref<4096xi32, #tpu.memory_space<vmem>>, vector<16xi32>,
      %mul3A_231 = arith.constant 16 : i32
      %mul3A_232 = arith.muli %add3A_226, %mul3A_231 : i32
      %get3A_233 = arith.index_cast %mul3A_232 : i32 to index
      %get3A_234 = tpu.vector_load %arg7[%get3A_233] {strides = array<i32>} : memref<4096xi32, #tpu.memory_space<vmem>>, vector<16xi32>,
      %shift_right_logical3A_235 = arith.constant 22 : i32
      %shift_right_logical3A_236 = vector.broadcast %shift_right_logical3A_235 : i32 to vector<16xi32>
      %shift_right_logical3A_237 = arith.shrui %get3A_230, %shift_right_logical3A_236 : vector<16xi32>
      %and3A_238 = arith.constant 2047 : i32
      %and3A_239 = vector.broadcast %and3A_238 : i32 to vector<16xi32>
      %and3A_240 = arith.andi %shift_right_logical3A_237, %and3A_239 : vector<16xi32>
      %gather3A_241 = tpu.vector_load_idx %arg10[%and3A_240] : memref<2048xi32, #tpu.memory_space<vmem>>[vector<16xi32>], vector<16xi32>,
      %broadcast_in_dim3A_242 = arith.constant true
      %broadcast_in_dim3A_243 = vector.broadcast %broadcast_in_dim3A_242 : i1 to vector<16xi1>
      %unique3A_244, %unique3A_245 = tpu.scan_count mask(%broadcast_in_dim3A_243 : vector<16xi1>) value(%and3A_240 : vector<16xi32>) : vector<16xi1>, vector<16xi32>
      %add3A_246 = arith.addi %gather3A_241, %unique3A_245 : vector<16xi32>
      %sub3A_247 = arith.constant 1 : i32
      %sub3A_248 = vector.broadcast %sub3A_247 : i32 to vector<16xi32>
      %sub3A_249 = arith.subi %add3A_246, %sub3A_248 : vector<16xi32>
      tpu.vector_store_idx %arg8[%sub3A_249], %get3A_230 : memref<4096xi32, #tpu.memory_space<vmem>>[vector<16xi32>], vector<16xi32>,
      tpu.vector_store_idx %arg9[%sub3A_249], %get3A_234 : memref<4096xi32, #tpu.memory_space<vmem>>[vector<16xi32>], vector<16xi32>,
      %add3A_250 = arith.addi %gather3A_241, %unique3A_245 : vector<16xi32>
      tpu.vector_store_idx %arg10[%and3A_240], %add3A_250 masked %unique3A_244 : memref<2048xi32, #tpu.memory_space<vmem>>[vector<16xi32>], vector<16xi32>, vector<16xi1>
    }
    %scan3A_67 = arith.constant 256 : i32
    %dma_start3A = arith.constant 0 : i32
    %dma_start3A_68 = tpu.memref_slice %arg9[%dma_start3A] : memref<4096xi32, #tpu.memory_space<vmem>> -> memref<64xi32, #tpu.memory_space<vmem>>
    %dma_start3A_69 = arith.constant 0 : i32
    %dma_start3A_70 = arith.constant 0 : i32
    %dma_start3A_71 = tpu.memref_slice %arg2[%dma_start3A_69, %dma_start3A_70] : memref<131072x128xf32, #tpu.memory_space<hbm>> -> memref<131072x128xf32, #tpu.memory_space<hbm>>
    tpu.enqueue_indirect_dma source(%dma_start3A_71 : memref<131072x128xf32, #tpu.memory_space<hbm>>) target(%arg11 : memref<64x128xf32, #tpu.memory_space<vmem>>) offsets(%dma_start3A_68 : memref<64xi32, #tpu.memory_space<vmem>>) semaphore(%arg19 : memref<!tpu.dma_semaphore, #tpu.memory_space<semaphore_mem>>)
    %dma_start3A_72 = arith.constant 64 : i32
    %dma_start3A_73 = tpu.memref_slice %arg9[%dma_start3A_72] : memref<4096xi32, #tpu.memory_space<vmem>> -> memref<64xi32, #tpu.memory_space<vmem>>
    %dma_start3A_74 = arith.constant 0 : i32
    %dma_start3A_75 = arith.constant 0 : i32
    %dma_start3A_76 = tpu.memref_slice %arg2[%dma_start3A_74, %dma_start3A_75] : memref<131072x128xf32, #tpu.memory_space<hbm>> -> memref<131072x128xf32, #tpu.memory_space<hbm>>
    tpu.enqueue_indirect_dma source(%dma_start3A_76 : memref<131072x128xf32, #tpu.memory_space<hbm>>) target(%arg12 : memref<64x128xf32, #tpu.memory_space<vmem>>) offsets(%dma_start3A_73 : memref<64xi32, #tpu.memory_space<vmem>>) semaphore(%arg20 : memref<!tpu.dma_semaphore, #tpu.memory_space<semaphore_mem>>)
    %dma_start3A_77 = arith.constant 128 : i32
    %dma_start3A_78 = tpu.memref_slice %arg9[%dma_start3A_77] : memref<4096xi32, #tpu.memory_space<vmem>> -> memref<64xi32, #tpu.memory_space<vmem>>
    %dma_start3A_79 = arith.constant 0 : i32
    %dma_start3A_80 = arith.constant 0 : i32
    %dma_start3A_81 = tpu.memref_slice %arg2[%dma_start3A_79, %dma_start3A_80] : memref<131072x128xf32, #tpu.memory_space<hbm>> -> memref<131072x128xf32, #tpu.memory_space<hbm>>
    tpu.enqueue_indirect_dma source(%dma_start3A_81 : memref<131072x128xf32, #tpu.memory_space<hbm>>) target(%arg13 : memref<64x128xf32, #tpu.memory_space<vmem>>) offsets(%dma_start3A_78 : memref<64xi32, #tpu.memory_space<vmem>>) semaphore(%arg21 : memref<!tpu.dma_semaphore, #tpu.memory_space<semaphore_mem>>)
    %dma_start3A_82 = arith.constant 192 : i32
    %dma_start3A_83 = tpu.memref_slice %arg9[%dma_start3A_82] : memref<4096xi32, #tpu.memory_space<vmem>> -> memref<64xi32, #tpu.memory_space<vmem>>
    %dma_start3A_84 = arith.constant 0 : i32
    %dma_start3A_85 = arith.constant 0 : i32
    %dma_start3A_86 = tpu.memref_slice %arg2[%dma_start3A_84, %dma_start3A_85] : memref<131072x128xf32, #tpu.memory_space<hbm>> -> memref<131072x128xf32, #tpu.memory_space<hbm>>
    tpu.enqueue_indirect_dma source(%dma_start3A_86 : memref<131072x128xf32, #tpu.memory_space<hbm>>) target(%arg14 : memref<64x128xf32, #tpu.memory_space<vmem>>) offsets(%dma_start3A_83 : memref<64xi32, #tpu.memory_space<vmem>>) semaphore(%arg22 : memref<!tpu.dma_semaphore, #tpu.memory_space<semaphore_mem>>)
    %scan3A_87 = arith.constant 0 : i32
    %scan3A_88 = arith.constant 8 : i32
    %scan3A_89 = arith.addi %scan3A_87, %scan3A_88 : i32
    %scan3A_90 = arith.constant 1 : i32
    scf.for %scan3A_139 = %scan3A_87 to %scan3A_89 step %scan3A_90  : i32 {
      %mul3A_140 = arith.constant 8 : i32
      %mul3A_141 = arith.muli %scan3A_139, %mul3A_140 : i32
      %add3A_142 = arith.constant 0 : i32
      %add3A_143 = arith.addi %add3A_142, %mul3A_141 : i32
      %add3A_144 = arith.constant 0 : i32
      %add3A_145 = arith.addi %add3A_143, %add3A_144 : i32
      %dma_wait3A_146 = arith.constant 0 : i32
      %dma_wait3A_147 = arith.constant 0 : i32
      %dma_wait3A_148 = tpu.memref_slice %arg2[%dma_wait3A_146, %dma_wait3A_147] : memref<131072x128xf32, #tpu.memory_space<hbm>> -> memref<64x128xf32, #tpu.memory_space<hbm>>
      %dma_wait3A_149 = arith.constant 0 : i32
      %dma_wait3A_150 = arith.constant 0 : i32
      %dma_wait3A_151 = tpu.memref_slice %arg2[%dma_wait3A_149, %dma_wait3A_150] : memref<131072x128xf32, #tpu.memory_space<hbm>> -> memref<64x128xf32, #tpu.memory_space<hbm>>
      tpu.wait_dma2 semaphore(%arg19 : memref<!tpu.dma_semaphore, #tpu.memory_space<semaphore_mem>>) src(%dma_wait3A_151 : memref<64x128xf32, #tpu.memory_space<hbm>>) dst(%arg11 : memref<64x128xf32, #tpu.memory_space<vmem>>)
      %mul3A_152 = arith.constant 64 : i32
      %mul3A_153 = arith.muli %add3A_145, %mul3A_152 : i32
      %add3A_154 = arith.addi %mul3A_2, %mul3A_153 : i32
      %dma_start3A_155 = arith.constant 0 : i32
      %dma_start3A_156 = tpu.memref_slice %arg4[%add3A_154, %dma_start3A_155] : memref<131072x128xf32, #tpu.memory_space<hbm>> -> memref<64x128xf32, #tpu.memory_space<hbm>>
      %dma_start3A_157 = arith.constant 0 : i32
      %dma_start3A_158 = tpu.memref_slice %arg4[%add3A_154, %dma_start3A_157] : memref<131072x128xf32, #tpu.memory_space<hbm>> -> memref<64x128xf32, #tpu.memory_space<hbm>>
      tpu.enqueue_dma source(%arg11 : memref<64x128xf32, #tpu.memory_space<vmem>>) target(%dma_start3A_158 : memref<64x128xf32, #tpu.memory_space<hbm>>) target_semaphore(%arg27 : memref<!tpu.dma_semaphore, #tpu.memory_space<semaphore_mem>>)
      %add3A_159 = arith.constant 4 : i32
      %add3A_160 = arith.addi %add3A_145, %add3A_159 : i32
      %lt3A = arith.constant 64 : i32
      %lt3A_161 = arith.cmpi slt, %add3A_160, %lt3A : i32
      %convert_element_type3A = arith.extui %lt3A_161 : i1 to i32
      %cond3A = arith.constant 0 : i32
      %cond3A_162 = arith.cmpi ne, %convert_element_type3A, %cond3A : i32
      scf.if %cond3A_162 {
        %ge3A = arith.constant 4 : i32
        %ge3A_317 = arith.cmpi sge, %add3A_145, %ge3A : i32
        %convert_element_type3A_318 = arith.extui %ge3A_317 : i1 to i32
        %cond3A_319 = arith.constant 0 : i32
        %cond3A_320 = arith.cmpi ne, %convert_element_type3A_318, %cond3A_319 : i32
        scf.if %cond3A_320 {
          %dma_wait3A_329 = arith.constant 0 : i32
          %dma_wait3A_330 = arith.constant 0 : i32
          %dma_wait3A_331 = tpu.memref_slice %arg2[%dma_wait3A_329, %dma_wait3A_330] : memref<131072x128xf32, #tpu.memory_space<hbm>> -> memref<64x128xf32, #tpu.memory_space<hbm>>
          %dma_wait3A_332 = arith.constant 0 : i32
          %dma_wait3A_333 = arith.constant 0 : i32
          %dma_wait3A_334 = tpu.memref_slice %arg2[%dma_wait3A_332, %dma_wait3A_333] : memref<131072x128xf32, #tpu.memory_space<hbm>> -> memref<64x128xf32, #tpu.memory_space<hbm>>
          tpu.wait_dma2 semaphore(%arg31 : memref<!tpu.dma_semaphore, #tpu.memory_space<semaphore_mem>>) src(%dma_wait3A_334 : memref<64x128xf32, #tpu.memory_space<hbm>>) dst(%arg15 : memref<64x128xf32, #tpu.memory_space<vmem>>)
        } else {
        }
        %add3A_321 = arith.constant 4 : i32
        %add3A_322 = arith.addi %add3A_145, %add3A_321 : i32
        %mul3A_323 = arith.constant 64 : i32
        %mul3A_324 = arith.muli %add3A_322, %mul3A_323 : i32
        %dma_start3A_325 = tpu.memref_slice %arg9[%mul3A_324] : memref<4096xi32, #tpu.memory_space<vmem>> -> memref<64xi32, #tpu.memory_space<vmem>>
        %dma_start3A_326 = arith.constant 0 : i32
        %dma_start3A_327 = arith.constant 0 : i32
        %dma_start3A_328 = tpu.memref_slice %arg2[%dma_start3A_326, %dma_start3A_327] : memref<131072x128xf32, #tpu.memory_space<hbm>> -> memref<131072x128xf32, #tpu.memory_space<hbm>>
        tpu.enqueue_indirect_dma source(%dma_start3A_328 : memref<131072x128xf32, #tpu.memory_space<hbm>>) target(%arg15 : memref<64x128xf32, #tpu.memory_space<vmem>>) offsets(%dma_start3A_325 : memref<64xi32, #tpu.memory_space<vmem>>) semaphore(%arg23 : memref<!tpu.dma_semaphore, #tpu.memory_space<semaphore_mem>>)
      } else {
      }
      %add3A_163 = arith.constant 1 : i32
      %add3A_164 = arith.addi %add3A_143, %add3A_163 : i32
      %dma_wait3A_165 = arith.constant 0 : i32
      %dma_wait3A_166 = arith.constant 0 : i32
      %dma_wait3A_167 = tpu.memref_slice %arg2[%dma_wait3A_165, %dma_wait3A_166] : memref<131072x128xf32, #tpu.memory_space<hbm>> -> memref<64x128xf32, #tpu.memory_space<hbm>>
      %dma_wait3A_168 = arith.constant 0 : i32
      %dma_wait3A_169 = arith.constant 0 : i32
      %dma_wait3A_170 = tpu.memref_slice %arg2[%dma_wait3A_168, %dma_wait3A_169] : memref<131072x128xf32, #tpu.memory_space<hbm>> -> memref<64x128xf32, #tpu.memory_space<hbm>>
      tpu.wait_dma2 semaphore(%arg20 : memref<!tpu.dma_semaphore, #tpu.memory_space<semaphore_mem>>) src(%dma_wait3A_170 : memref<64x128xf32, #tpu.memory_space<hbm>>) dst(%arg12 : memref<64x128xf32, #tpu.memory_space<vmem>>)
      %mul3A_171 = arith.constant 64 : i32
      %mul3A_172 = arith.muli %add3A_164, %mul3A_171 : i32
      %add3A_173 = arith.addi %mul3A_2, %mul3A_172 : i32
      %dma_start3A_174 = arith.constant 0 : i32
      %dma_start3A_175 = tpu.memref_slice %arg4[%add3A_173, %dma_start3A_174] : memref<131072x128xf32, #tpu.memory_space<hbm>> -> memref<64x128xf32, #tpu.memory_space<hbm>>
      %dma_start3A_176 = arith.constant 0 : i32
      %dma_start3A_177 = tpu.memref_slice %arg4[%add3A_173, %dma_start3A_176] : memref<131072x128xf32, #tpu.memory_space<hbm>> -> memref<64x128xf32, #tpu.memory_space<hbm>>
      tpu.enqueue_dma source(%arg12 : memref<64x128xf32, #tpu.memory_space<vmem>>) target(%dma_start3A_177 : memref<64x128xf32, #tpu.memory_space<hbm>>) target_semaphore(%arg28 : memref<!tpu.dma_semaphore, #tpu.memory_space<semaphore_mem>>)
      %add3A_178 = arith.constant 4 : i32
      %add3A_179 = arith.addi %add3A_164, %add3A_178 : i32
      %lt3A_180 = arith.constant 64 : i32
      %lt3A_181 = arith.cmpi slt, %add3A_179, %lt3A_180 : i32
      %convert_element_type3A_182 = arith.extui %lt3A_181 : i1 to i32
      %cond3A_183 = arith.constant 0 : i32
      %cond3A_184 = arith.cmpi ne, %convert_element_type3A_182, %cond3A_183 : i32
      scf.if %cond3A_184 {
        %ge3A = arith.constant 4 : i32
        %ge3A_317 = arith.cmpi sge, %add3A_164, %ge3A : i32
        %convert_element_type3A_318 = arith.extui %ge3A_317 : i1 to i32
        %cond3A_319 = arith.constant 0 : i32
        %cond3A_320 = arith.cmpi ne, %convert_element_type3A_318, %cond3A_319 : i32
        scf.if %cond3A_320 {
          %dma_wait3A_329 = arith.constant 0 : i32
          %dma_wait3A_330 = arith.constant 0 : i32
          %dma_wait3A_331 = tpu.memref_slice %arg2[%dma_wait3A_329, %dma_wait3A_330] : memref<131072x128xf32, #tpu.memory_space<hbm>> -> memref<64x128xf32, #tpu.memory_space<hbm>>
          %dma_wait3A_332 = arith.constant 0 : i32
          %dma_wait3A_333 = arith.constant 0 : i32
          %dma_wait3A_334 = tpu.memref_slice %arg2[%dma_wait3A_332, %dma_wait3A_333] : memref<131072x128xf32, #tpu.memory_space<hbm>> -> memref<64x128xf32, #tpu.memory_space<hbm>>
          tpu.wait_dma2 semaphore(%arg32 : memref<!tpu.dma_semaphore, #tpu.memory_space<semaphore_mem>>) src(%dma_wait3A_334 : memref<64x128xf32, #tpu.memory_space<hbm>>) dst(%arg16 : memref<64x128xf32, #tpu.memory_space<vmem>>)
        } else {
        }
        %add3A_321 = arith.constant 4 : i32
        %add3A_322 = arith.addi %add3A_164, %add3A_321 : i32
        %mul3A_323 = arith.constant 64 : i32
        %mul3A_324 = arith.muli %add3A_322, %mul3A_323 : i32
        %dma_start3A_325 = tpu.memref_slice %arg9[%mul3A_324] : memref<4096xi32, #tpu.memory_space<vmem>> -> memref<64xi32, #tpu.memory_space<vmem>>
        %dma_start3A_326 = arith.constant 0 : i32
        %dma_start3A_327 = arith.constant 0 : i32
        %dma_start3A_328 = tpu.memref_slice %arg2[%dma_start3A_326, %dma_start3A_327] : memref<131072x128xf32, #tpu.memory_space<hbm>> -> memref<131072x128xf32, #tpu.memory_space<hbm>>
        tpu.enqueue_indirect_dma source(%dma_start3A_328 : memref<131072x128xf32, #tpu.memory_space<hbm>>) target(%arg16 : memref<64x128xf32, #tpu.memory_space<vmem>>) offsets(%dma_start3A_325 : memref<64xi32, #tpu.memory_space<vmem>>) semaphore(%arg24 : memref<!tpu.dma_semaphore, #tpu.memory_space<semaphore_mem>>)
      } else {
      }
      %add3A_185 = arith.constant 2 : i32
      %add3A_186 = arith.addi %add3A_143, %add3A_185 : i32
      %dma_wait3A_187 = arith.constant 0 : i32
      %dma_wait3A_188 = arith.constant 0 : i32
      %dma_wait3A_189 = tpu.memref_slice %arg2[%dma_wait3A_187, %dma_wait3A_188] : memref<131072x128xf32, #tpu.memory_space<hbm>> -> memref<64x128xf32, #tpu.memory_space<hbm>>
      %dma_wait3A_190 = arith.constant 0 : i32
      %dma_wait3A_191 = arith.constant 0 : i32
      %dma_wait3A_192 = tpu.memref_slice %arg2[%dma_wait3A_190, %dma_wait3A_191] : memref<131072x128xf32, #tpu.memory_space<hbm>> -> memref<64x128xf32, #tpu.memory_space<hbm>>
      tpu.wait_dma2 semaphore(%arg21 : memref<!tpu.dma_semaphore, #tpu.memory_space<semaphore_mem>>) src(%dma_wait3A_192 : memref<64x128xf32, #tpu.memory_space<hbm>>) dst(%arg13 : memref<64x128xf32, #tpu.memory_space<vmem>>)
      %mul3A_193 = arith.constant 64 : i32
      %mul3A_194 = arith.muli %add3A_186, %mul3A_193 : i32
      %add3A_195 = arith.addi %mul3A_2, %mul3A_194 : i32
      %dma_start3A_196 = arith.constant 0 : i32
      %dma_start3A_197 = tpu.memref_slice %arg4[%add3A_195, %dma_start3A_196] : memref<131072x128xf32, #tpu.memory_space<hbm>> -> memref<64x128xf32, #tpu.memory_space<hbm>>
      %dma_start3A_198 = arith.constant 0 : i32
      %dma_start3A_199 = tpu.memref_slice %arg4[%add3A_195, %dma_start3A_198] : memref<131072x128xf32, #tpu.memory_space<hbm>> -> memref<64x128xf32, #tpu.memory_space<hbm>>
      tpu.enqueue_dma source(%arg13 : memref<64x128xf32, #tpu.memory_space<vmem>>) target(%dma_start3A_199 : memref<64x128xf32, #tpu.memory_space<hbm>>) target_semaphore(%arg29 : memref<!tpu.dma_semaphore, #tpu.memory_space<semaphore_mem>>)
      %add3A_200 = arith.constant 4 : i32
      %add3A_201 = arith.addi %add3A_186, %add3A_200 : i32
      %lt3A_202 = arith.constant 64 : i32
      %lt3A_203 = arith.cmpi slt, %add3A_201, %lt3A_202 : i32
      %convert_element_type3A_204 = arith.extui %lt3A_203 : i1 to i32
      %cond3A_205 = arith.constant 0 : i32
      %cond3A_206 = arith.cmpi ne, %convert_element_type3A_204, %cond3A_205 : i32
      scf.if %cond3A_206 {
        %ge3A = arith.constant 4 : i32
        %ge3A_317 = arith.cmpi sge, %add3A_186, %ge3A : i32
        %convert_element_type3A_318 = arith.extui %ge3A_317 : i1 to i32
        %cond3A_319 = arith.constant 0 : i32
        %cond3A_320 = arith.cmpi ne, %convert_element_type3A_318, %cond3A_319 : i32
        scf.if %cond3A_320 {
          %dma_wait3A_329 = arith.constant 0 : i32
          %dma_wait3A_330 = arith.constant 0 : i32
          %dma_wait3A_331 = tpu.memref_slice %arg2[%dma_wait3A_329, %dma_wait3A_330] : memref<131072x128xf32, #tpu.memory_space<hbm>> -> memref<64x128xf32, #tpu.memory_space<hbm>>
          %dma_wait3A_332 = arith.constant 0 : i32
          %dma_wait3A_333 = arith.constant 0 : i32
          %dma_wait3A_334 = tpu.memref_slice %arg2[%dma_wait3A_332, %dma_wait3A_333] : memref<131072x128xf32, #tpu.memory_space<hbm>> -> memref<64x128xf32, #tpu.memory_space<hbm>>
          tpu.wait_dma2 semaphore(%arg33 : memref<!tpu.dma_semaphore, #tpu.memory_space<semaphore_mem>>) src(%dma_wait3A_334 : memref<64x128xf32, #tpu.memory_space<hbm>>) dst(%arg17 : memref<64x128xf32, #tpu.memory_space<vmem>>)
        } else {
        }
        %add3A_321 = arith.constant 4 : i32
        %add3A_322 = arith.addi %add3A_186, %add3A_321 : i32
        %mul3A_323 = arith.constant 64 : i32
        %mul3A_324 = arith.muli %add3A_322, %mul3A_323 : i32
        %dma_start3A_325 = tpu.memref_slice %arg9[%mul3A_324] : memref<4096xi32, #tpu.memory_space<vmem>> -> memref<64xi32, #tpu.memory_space<vmem>>
        %dma_start3A_326 = arith.constant 0 : i32
        %dma_start3A_327 = arith.constant 0 : i32
        %dma_start3A_328 = tpu.memref_slice %arg2[%dma_start3A_326, %dma_start3A_327] : memref<131072x128xf32, #tpu.memory_space<hbm>> -> memref<131072x128xf32, #tpu.memory_space<hbm>>
        tpu.enqueue_indirect_dma source(%dma_start3A_328 : memref<131072x128xf32, #tpu.memory_space<hbm>>) target(%arg17 : memref<64x128xf32, #tpu.memory_space<vmem>>) offsets(%dma_start3A_325 : memref<64xi32, #tpu.memory_space<vmem>>) semaphore(%arg25 : memref<!tpu.dma_semaphore, #tpu.memory_space<semaphore_mem>>)
      } else {
      }
      %add3A_207 = arith.constant 3 : i32
      %add3A_208 = arith.addi %add3A_143, %add3A_207 : i32
      %dma_wait3A_209 = arith.constant 0 : i32
      %dma_wait3A_210 = arith.constant 0 : i32
      %dma_wait3A_211 = tpu.memref_slice %arg2[%dma_wait3A_209, %dma_wait3A_210] : memref<131072x128xf32, #tpu.memory_space<hbm>> -> memref<64x128xf32, #tpu.memory_space<hbm>>
      %dma_wait3A_212 = arith.constant 0 : i32
      %dma_wait3A_213 = arith.constant 0 : i32
      %dma_wait3A_214 = tpu.memref_slice %arg2[%dma_wait3A_212, %dma_wait3A_213] : memref<131072x128xf32, #tpu.memory_space<hbm>> -> memref<64x128xf32, #tpu.memory_space<hbm>>
      tpu.wait_dma2 semaphore(%arg22 : memref<!tpu.dma_semaphore, #tpu.memory_space<semaphore_mem>>) src(%dma_wait3A_214 : memref<64x128xf32, #tpu.memory_space<hbm>>) dst(%arg14 : memref<64x128xf32, #tpu.memory_space<vmem>>)
      %mul3A_215 = arith.constant 64 : i32
      %mul3A_216 = arith.muli %add3A_208, %mul3A_215 : i32
      %add3A_217 = arith.addi %mul3A_2, %mul3A_216 : i32
      %dma_start3A_218 = arith.constant 0 : i32
      %dma_start3A_219 = tpu.memref_slice %arg4[%add3A_217, %dma_start3A_218] : memref<131072x128xf32, #tpu.memory_space<hbm>> -> memref<64x128xf32, #tpu.memory_space<hbm>>
      %dma_start3A_220 = arith.constant 0 : i32
      %dma_start3A_221 = tpu.memref_slice %arg4[%add3A_217, %dma_start3A_220] : memref<131072x128xf32, #tpu.memory_space<hbm>> -> memref<64x128xf32, #tpu.memory_space<hbm>>
      tpu.enqueue_dma source(%arg14 : memref<64x128xf32, #tpu.memory_space<vmem>>) target(%dma_start3A_221 : memref<64x128xf32, #tpu.memory_space<hbm>>) target_semaphore(%arg30 : memref<!tpu.dma_semaphore, #tpu.memory_space<semaphore_mem>>)
      %add3A_222 = arith.constant 4 : i32
      %add3A_223 = arith.addi %add3A_208, %add3A_222 : i32
      %lt3A_224 = arith.constant 64 : i32
      %lt3A_225 = arith.cmpi slt, %add3A_223, %lt3A_224 : i32
      %convert_element_type3A_226 = arith.extui %lt3A_225 : i1 to i32
      %cond3A_227 = arith.constant 0 : i32
      %cond3A_228 = arith.cmpi ne, %convert_element_type3A_226, %cond3A_227 : i32
      scf.if %cond3A_228 {
        %ge3A = arith.constant 4 : i32
        %ge3A_317 = arith.cmpi sge, %add3A_208, %ge3A : i32
        %convert_element_type3A_318 = arith.extui %ge3A_317 : i1 to i32
        %cond3A_319 = arith.constant 0 : i32
        %cond3A_320 = arith.cmpi ne, %convert_element_type3A_318, %cond3A_319 : i32
        scf.if %cond3A_320 {
          %dma_wait3A_329 = arith.constant 0 : i32
          %dma_wait3A_330 = arith.constant 0 : i32
          %dma_wait3A_331 = tpu.memref_slice %arg2[%dma_wait3A_329, %dma_wait3A_330] : memref<131072x128xf32, #tpu.memory_space<hbm>> -> memref<64x128xf32, #tpu.memory_space<hbm>>
          %dma_wait3A_332 = arith.constant 0 : i32
          %dma_wait3A_333 = arith.constant 0 : i32
          %dma_wait3A_334 = tpu.memref_slice %arg2[%dma_wait3A_332, %dma_wait3A_333] : memref<131072x128xf32, #tpu.memory_space<hbm>> -> memref<64x128xf32, #tpu.memory_space<hbm>>
          tpu.wait_dma2 semaphore(%arg34 : memref<!tpu.dma_semaphore, #tpu.memory_space<semaphore_mem>>) src(%dma_wait3A_334 : memref<64x128xf32, #tpu.memory_space<hbm>>) dst(%arg18 : memref<64x128xf32, #tpu.memory_space<vmem>>)
        } else {
        }
        %add3A_321 = arith.constant 4 : i32
        %add3A_322 = arith.addi %add3A_208, %add3A_321 : i32
        %mul3A_323 = arith.constant 64 : i32
        %mul3A_324 = arith.muli %add3A_322, %mul3A_323 : i32
        %dma_start3A_325 = tpu.memref_slice %arg9[%mul3A_324] : memref<4096xi32, #tpu.memory_space<vmem>> -> memref<64xi32, #tpu.memory_space<vmem>>
        %dma_start3A_326 = arith.constant 0 : i32
        %dma_start3A_327 = arith.constant 0 : i32
        %dma_start3A_328 = tpu.memref_slice %arg2[%dma_start3A_326, %dma_start3A_327] : memref<131072x128xf32, #tpu.memory_space<hbm>> -> memref<131072x128xf32, #tpu.memory_space<hbm>>
        tpu.enqueue_indirect_dma source(%dma_start3A_328 : memref<131072x128xf32, #tpu.memory_space<hbm>>) target(%arg18 : memref<64x128xf32, #tpu.memory_space<vmem>>) offsets(%dma_start3A_325 : memref<64xi32, #tpu.memory_space<vmem>>) semaphore(%arg26 : memref<!tpu.dma_semaphore, #tpu.memory_space<semaphore_mem>>)
      } else {
      }
      %add3A_229 = arith.constant 4 : i32
      %add3A_230 = arith.addi %add3A_143, %add3A_229 : i32
      %dma_wait3A_231 = arith.constant 0 : i32
      %dma_wait3A_232 = arith.constant 0 : i32
      %dma_wait3A_233 = tpu.memref_slice %arg2[%dma_wait3A_231, %dma_wait3A_232] : memref<131072x128xf32, #tpu.memory_space<hbm>> -> memref<64x128xf32, #tpu.memory_space<hbm>>
      %dma_wait3A_234 = arith.constant 0 : i32
      %dma_wait3A_235 = arith.constant 0 : i32
      %dma_wait3A_236 = tpu.memref_slice %arg2[%dma_wait3A_234, %dma_wait3A_235] : memref<131072x128xf32, #tpu.memory_space<hbm>> -> memref<64x128xf32, #tpu.memory_space<hbm>>
      tpu.wait_dma2 semaphore(%arg23 : memref<!tpu.dma_semaphore, #tpu.memory_space<semaphore_mem>>) src(%dma_wait3A_236 : memref<64x128xf32, #tpu.memory_space<hbm>>) dst(%arg15 : memref<64x128xf32, #tpu.memory_space<vmem>>)
      %mul3A_237 = arith.constant 64 : i32
      %mul3A_238 = arith.muli %add3A_230, %mul3A_237 : i32
      %add3A_239 = arith.addi %mul3A_2, %mul3A_238 : i32
      %dma_start3A_240 = arith.constant 0 : i32
      %dma_start3A_241 = tpu.memref_slice %arg4[%add3A_239, %dma_start3A_240] : memref<131072x128xf32, #tpu.memory_space<hbm>> -> memref<64x128xf32, #tpu.memory_space<hbm>>
      %dma_start3A_242 = arith.constant 0 : i32
      %dma_start3A_243 = tpu.memref_slice %arg4[%add3A_239, %dma_start3A_242] : memref<131072x128xf32, #tpu.memory_space<hbm>> -> memref<64x128xf32, #tpu.memory_space<hbm>>
      tpu.enqueue_dma source(%arg15 : memref<64x128xf32, #tpu.memory_space<vmem>>) target(%dma_start3A_243 : memref<64x128xf32, #tpu.memory_space<hbm>>) target_semaphore(%arg31 : memref<!tpu.dma_semaphore, #tpu.memory_space<semaphore_mem>>)
      %add3A_244 = arith.constant 4 : i32
      %add3A_245 = arith.addi %add3A_230, %add3A_244 : i32
      %lt3A_246 = arith.constant 64 : i32
      %lt3A_247 = arith.cmpi slt, %add3A_245, %lt3A_246 : i32
      %convert_element_type3A_248 = arith.extui %lt3A_247 : i1 to i32
      %cond3A_249 = arith.constant 0 : i32
      %cond3A_250 = arith.cmpi ne, %convert_element_type3A_248, %cond3A_249 : i32
      scf.if %cond3A_250 {
        %ge3A = arith.constant 4 : i32
        %ge3A_317 = arith.cmpi sge, %add3A_230, %ge3A : i32
        %convert_element_type3A_318 = arith.extui %ge3A_317 : i1 to i32
        %cond3A_319 = arith.constant 0 : i32
        %cond3A_320 = arith.cmpi ne, %convert_element_type3A_318, %cond3A_319 : i32
        scf.if %cond3A_320 {
          %dma_wait3A_329 = arith.constant 0 : i32
          %dma_wait3A_330 = arith.constant 0 : i32
          %dma_wait3A_331 = tpu.memref_slice %arg2[%dma_wait3A_329, %dma_wait3A_330] : memref<131072x128xf32, #tpu.memory_space<hbm>> -> memref<64x128xf32, #tpu.memory_space<hbm>>
          %dma_wait3A_332 = arith.constant 0 : i32
          %dma_wait3A_333 = arith.constant 0 : i32
          %dma_wait3A_334 = tpu.memref_slice %arg2[%dma_wait3A_332, %dma_wait3A_333] : memref<131072x128xf32, #tpu.memory_space<hbm>> -> memref<64x128xf32, #tpu.memory_space<hbm>>
          tpu.wait_dma2 semaphore(%arg27 : memref<!tpu.dma_semaphore, #tpu.memory_space<semaphore_mem>>) src(%dma_wait3A_334 : memref<64x128xf32, #tpu.memory_space<hbm>>) dst(%arg11 : memref<64x128xf32, #tpu.memory_space<vmem>>)
        } else {
        }
        %add3A_321 = arith.constant 4 : i32
        %add3A_322 = arith.addi %add3A_230, %add3A_321 : i32
        %mul3A_323 = arith.constant 64 : i32
        %mul3A_324 = arith.muli %add3A_322, %mul3A_323 : i32
        %dma_start3A_325 = tpu.memref_slice %arg9[%mul3A_324] : memref<4096xi32, #tpu.memory_space<vmem>> -> memref<64xi32, #tpu.memory_space<vmem>>
        %dma_start3A_326 = arith.constant 0 : i32
        %dma_start3A_327 = arith.constant 0 : i32
        %dma_start3A_328 = tpu.memref_slice %arg2[%dma_start3A_326, %dma_start3A_327] : memref<131072x128xf32, #tpu.memory_space<hbm>> -> memref<131072x128xf32, #tpu.memory_space<hbm>>
        tpu.enqueue_indirect_dma source(%dma_start3A_328 : memref<131072x128xf32, #tpu.memory_space<hbm>>) target(%arg11 : memref<64x128xf32, #tpu.memory_space<vmem>>) offsets(%dma_start3A_325 : memref<64xi32, #tpu.memory_space<vmem>>) semaphore(%arg19 : memref<!tpu.dma_semaphore, #tpu.memory_space<semaphore_mem>>)
      } else {
      }
      %add3A_251 = arith.constant 5 : i32
      %add3A_252 = arith.addi %add3A_143, %add3A_251 : i32
      %dma_wait3A_253 = arith.constant 0 : i32
      %dma_wait3A_254 = arith.constant 0 : i32
      %dma_wait3A_255 = tpu.memref_slice %arg2[%dma_wait3A_253, %dma_wait3A_254] : memref<131072x128xf32, #tpu.memory_space<hbm>> -> memref<64x128xf32, #tpu.memory_space<hbm>>
      %dma_wait3A_256 = arith.constant 0 : i32
      %dma_wait3A_257 = arith.constant 0 : i32
      %dma_wait3A_258 = tpu.memref_slice %arg2[%dma_wait3A_256, %dma_wait3A_257] : memref<131072x128xf32, #tpu.memory_space<hbm>> -> memref<64x128xf32, #tpu.memory_space<hbm>>
      tpu.wait_dma2 semaphore(%arg24 : memref<!tpu.dma_semaphore, #tpu.memory_space<semaphore_mem>>) src(%dma_wait3A_258 : memref<64x128xf32, #tpu.memory_space<hbm>>) dst(%arg16 : memref<64x128xf32, #tpu.memory_space<vmem>>)
      %mul3A_259 = arith.constant 64 : i32
      %mul3A_260 = arith.muli %add3A_252, %mul3A_259 : i32
      %add3A_261 = arith.addi %mul3A_2, %mul3A_260 : i32
      %dma_start3A_262 = arith.constant 0 : i32
      %dma_start3A_263 = tpu.memref_slice %arg4[%add3A_261, %dma_start3A_262] : memref<131072x128xf32, #tpu.memory_space<hbm>> -> memref<64x128xf32, #tpu.memory_space<hbm>>
      %dma_start3A_264 = arith.constant 0 : i32
      %dma_start3A_265 = tpu.memref_slice %arg4[%add3A_261, %dma_start3A_264] : memref<131072x128xf32, #tpu.memory_space<hbm>> -> memref<64x128xf32, #tpu.memory_space<hbm>>
      tpu.enqueue_dma source(%arg16 : memref<64x128xf32, #tpu.memory_space<vmem>>) target(%dma_start3A_265 : memref<64x128xf32, #tpu.memory_space<hbm>>) target_semaphore(%arg32 : memref<!tpu.dma_semaphore, #tpu.memory_space<semaphore_mem>>)
      %add3A_266 = arith.constant 4 : i32
      %add3A_267 = arith.addi %add3A_252, %add3A_266 : i32
      %lt3A_268 = arith.constant 64 : i32
      %lt3A_269 = arith.cmpi slt, %add3A_267, %lt3A_268 : i32
      %convert_element_type3A_270 = arith.extui %lt3A_269 : i1 to i32
      %cond3A_271 = arith.constant 0 : i32
      %cond3A_272 = arith.cmpi ne, %convert_element_type3A_270, %cond3A_271 : i32
      scf.if %cond3A_272 {
        %ge3A = arith.constant 4 : i32
        %ge3A_317 = arith.cmpi sge, %add3A_252, %ge3A : i32
        %convert_element_type3A_318 = arith.extui %ge3A_317 : i1 to i32
        %cond3A_319 = arith.constant 0 : i32
        %cond3A_320 = arith.cmpi ne, %convert_element_type3A_318, %cond3A_319 : i32
        scf.if %cond3A_320 {
          %dma_wait3A_329 = arith.constant 0 : i32
          %dma_wait3A_330 = arith.constant 0 : i32
          %dma_wait3A_331 = tpu.memref_slice %arg2[%dma_wait3A_329, %dma_wait3A_330] : memref<131072x128xf32, #tpu.memory_space<hbm>> -> memref<64x128xf32, #tpu.memory_space<hbm>>
          %dma_wait3A_332 = arith.constant 0 : i32
          %dma_wait3A_333 = arith.constant 0 : i32
          %dma_wait3A_334 = tpu.memref_slice %arg2[%dma_wait3A_332, %dma_wait3A_333] : memref<131072x128xf32, #tpu.memory_space<hbm>> -> memref<64x128xf32, #tpu.memory_space<hbm>>
          tpu.wait_dma2 semaphore(%arg28 : memref<!tpu.dma_semaphore, #tpu.memory_space<semaphore_mem>>) src(%dma_wait3A_334 : memref<64x128xf32, #tpu.memory_space<hbm>>) dst(%arg12 : memref<64x128xf32, #tpu.memory_space<vmem>>)
        } else {
        }
        %add3A_321 = arith.constant 4 : i32
        %add3A_322 = arith.addi %add3A_252, %add3A_321 : i32
        %mul3A_323 = arith.constant 64 : i32
        %mul3A_324 = arith.muli %add3A_322, %mul3A_323 : i32
        %dma_start3A_325 = tpu.memref_slice %arg9[%mul3A_324] : memref<4096xi32, #tpu.memory_space<vmem>> -> memref<64xi32, #tpu.memory_space<vmem>>
        %dma_start3A_326 = arith.constant 0 : i32
        %dma_start3A_327 = arith.constant 0 : i32
        %dma_start3A_328 = tpu.memref_slice %arg2[%dma_start3A_326, %dma_start3A_327] : memref<131072x128xf32, #tpu.memory_space<hbm>> -> memref<131072x128xf32, #tpu.memory_space<hbm>>
        tpu.enqueue_indirect_dma source(%dma_start3A_328 : memref<131072x128xf32, #tpu.memory_space<hbm>>) target(%arg12 : memref<64x128xf32, #tpu.memory_space<vmem>>) offsets(%dma_start3A_325 : memref<64xi32, #tpu.memory_space<vmem>>) semaphore(%arg20 : memref<!tpu.dma_semaphore, #tpu.memory_space<semaphore_mem>>)
      } else {
      }
      %add3A_273 = arith.constant 6 : i32
      %add3A_274 = arith.addi %add3A_143, %add3A_273 : i32
      %dma_wait3A_275 = arith.constant 0 : i32
      %dma_wait3A_276 = arith.constant 0 : i32
      %dma_wait3A_277 = tpu.memref_slice %arg2[%dma_wait3A_275, %dma_wait3A_276] : memref<131072x128xf32, #tpu.memory_space<hbm>> -> memref<64x128xf32, #tpu.memory_space<hbm>>
      %dma_wait3A_278 = arith.constant 0 : i32
      %dma_wait3A_279 = arith.constant 0 : i32
      %dma_wait3A_280 = tpu.memref_slice %arg2[%dma_wait3A_278, %dma_wait3A_279] : memref<131072x128xf32, #tpu.memory_space<hbm>> -> memref<64x128xf32, #tpu.memory_space<hbm>>
      tpu.wait_dma2 semaphore(%arg25 : memref<!tpu.dma_semaphore, #tpu.memory_space<semaphore_mem>>) src(%dma_wait3A_280 : memref<64x128xf32, #tpu.memory_space<hbm>>) dst(%arg17 : memref<64x128xf32, #tpu.memory_space<vmem>>)
      %mul3A_281 = arith.constant 64 : i32
      %mul3A_282 = arith.muli %add3A_274, %mul3A_281 : i32
      %add3A_283 = arith.addi %mul3A_2, %mul3A_282 : i32
      %dma_start3A_284 = arith.constant 0 : i32
      %dma_start3A_285 = tpu.memref_slice %arg4[%add3A_283, %dma_start3A_284] : memref<131072x128xf32, #tpu.memory_space<hbm>> -> memref<64x128xf32, #tpu.memory_space<hbm>>
      %dma_start3A_286 = arith.constant 0 : i32
      %dma_start3A_287 = tpu.memref_slice %arg4[%add3A_283, %dma_start3A_286] : memref<131072x128xf32, #tpu.memory_space<hbm>> -> memref<64x128xf32, #tpu.memory_space<hbm>>
      tpu.enqueue_dma source(%arg17 : memref<64x128xf32, #tpu.memory_space<vmem>>) target(%dma_start3A_287 : memref<64x128xf32, #tpu.memory_space<hbm>>) target_semaphore(%arg33 : memref<!tpu.dma_semaphore, #tpu.memory_space<semaphore_mem>>)
      %add3A_288 = arith.constant 4 : i32
      %add3A_289 = arith.addi %add3A_274, %add3A_288 : i32
      %lt3A_290 = arith.constant 64 : i32
      %lt3A_291 = arith.cmpi slt, %add3A_289, %lt3A_290 : i32
      %convert_element_type3A_292 = arith.extui %lt3A_291 : i1 to i32
      %cond3A_293 = arith.constant 0 : i32
      %cond3A_294 = arith.cmpi ne, %convert_element_type3A_292, %cond3A_293 : i32
      scf.if %cond3A_294 {
        %ge3A = arith.constant 4 : i32
        %ge3A_317 = arith.cmpi sge, %add3A_274, %ge3A : i32
        %convert_element_type3A_318 = arith.extui %ge3A_317 : i1 to i32
        %cond3A_319 = arith.constant 0 : i32
        %cond3A_320 = arith.cmpi ne, %convert_element_type3A_318, %cond3A_319 : i32
        scf.if %cond3A_320 {
          %dma_wait3A_329 = arith.constant 0 : i32
          %dma_wait3A_330 = arith.constant 0 : i32
          %dma_wait3A_331 = tpu.memref_slice %arg2[%dma_wait3A_329, %dma_wait3A_330] : memref<131072x128xf32, #tpu.memory_space<hbm>> -> memref<64x128xf32, #tpu.memory_space<hbm>>
          %dma_wait3A_332 = arith.constant 0 : i32
          %dma_wait3A_333 = arith.constant 0 : i32
          %dma_wait3A_334 = tpu.memref_slice %arg2[%dma_wait3A_332, %dma_wait3A_333] : memref<131072x128xf32, #tpu.memory_space<hbm>> -> memref<64x128xf32, #tpu.memory_space<hbm>>
          tpu.wait_dma2 semaphore(%arg29 : memref<!tpu.dma_semaphore, #tpu.memory_space<semaphore_mem>>) src(%dma_wait3A_334 : memref<64x128xf32, #tpu.memory_space<hbm>>) dst(%arg13 : memref<64x128xf32, #tpu.memory_space<vmem>>)
        } else {
        }
        %add3A_321 = arith.constant 4 : i32
        %add3A_322 = arith.addi %add3A_274, %add3A_321 : i32
        %mul3A_323 = arith.constant 64 : i32
        %mul3A_324 = arith.muli %add3A_322, %mul3A_323 : i32
        %dma_start3A_325 = tpu.memref_slice %arg9[%mul3A_324] : memref<4096xi32, #tpu.memory_space<vmem>> -> memref<64xi32, #tpu.memory_space<vmem>>
        %dma_start3A_326 = arith.constant 0 : i32
        %dma_start3A_327 = arith.constant 0 : i32
        %dma_start3A_328 = tpu.memref_slice %arg2[%dma_start3A_326, %dma_start3A_327] : memref<131072x128xf32, #tpu.memory_space<hbm>> -> memref<131072x128xf32, #tpu.memory_space<hbm>>
        tpu.enqueue_indirect_dma source(%dma_start3A_328 : memref<131072x128xf32, #tpu.memory_space<hbm>>) target(%arg13 : memref<64x128xf32, #tpu.memory_space<vmem>>) offsets(%dma_start3A_325 : memref<64xi32, #tpu.memory_space<vmem>>) semaphore(%arg21 : memref<!tpu.dma_semaphore, #tpu.memory_space<semaphore_mem>>)
      } else {
      }
      %add3A_295 = arith.constant 7 : i32
      %add3A_296 = arith.addi %add3A_143, %add3A_295 : i32
      %dma_wait3A_297 = arith.constant 0 : i32
      %dma_wait3A_298 = arith.constant 0 : i32
      %dma_wait3A_299 = tpu.memref_slice %arg2[%dma_wait3A_297, %dma_wait3A_298] : memref<131072x128xf32, #tpu.memory_space<hbm>> -> memref<64x128xf32, #tpu.memory_space<hbm>>
      %dma_wait3A_300 = arith.constant 0 : i32
      %dma_wait3A_301 = arith.constant 0 : i32
      %dma_wait3A_302 = tpu.memref_slice %arg2[%dma_wait3A_300, %dma_wait3A_301] : memref<131072x128xf32, #tpu.memory_space<hbm>> -> memref<64x128xf32, #tpu.memory_space<hbm>>
      tpu.wait_dma2 semaphore(%arg26 : memref<!tpu.dma_semaphore, #tpu.memory_space<semaphore_mem>>) src(%dma_wait3A_302 : memref<64x128xf32, #tpu.memory_space<hbm>>) dst(%arg18 : memref<64x128xf32, #tpu.memory_space<vmem>>)
      %mul3A_303 = arith.constant 64 : i32
      %mul3A_304 = arith.muli %add3A_296, %mul3A_303 : i32
      %add3A_305 = arith.addi %mul3A_2, %mul3A_304 : i32
      %dma_start3A_306 = arith.constant 0 : i32
      %dma_start3A_307 = tpu.memref_slice %arg4[%add3A_305, %dma_start3A_306] : memref<131072x128xf32, #tpu.memory_space<hbm>> -> memref<64x128xf32, #tpu.memory_space<hbm>>
      %dma_start3A_308 = arith.constant 0 : i32
      %dma_start3A_309 = tpu.memref_slice %arg4[%add3A_305, %dma_start3A_308] : memref<131072x128xf32, #tpu.memory_space<hbm>> -> memref<64x128xf32, #tpu.memory_space<hbm>>
      tpu.enqueue_dma source(%arg18 : memref<64x128xf32, #tpu.memory_space<vmem>>) target(%dma_start3A_309 : memref<64x128xf32, #tpu.memory_space<hbm>>) target_semaphore(%arg34 : memref<!tpu.dma_semaphore, #tpu.memory_space<semaphore_mem>>)
      %add3A_310 = arith.constant 4 : i32
      %add3A_311 = arith.addi %add3A_296, %add3A_310 : i32
      %lt3A_312 = arith.constant 64 : i32
      %lt3A_313 = arith.cmpi slt, %add3A_311, %lt3A_312 : i32
      %convert_element_type3A_314 = arith.extui %lt3A_313 : i1 to i32
      %cond3A_315 = arith.constant 0 : i32
      %cond3A_316 = arith.cmpi ne, %convert_element_type3A_314, %cond3A_315 : i32
      scf.if %cond3A_316 {
        %ge3A = arith.constant 4 : i32
        %ge3A_317 = arith.cmpi sge, %add3A_296, %ge3A : i32
        %convert_element_type3A_318 = arith.extui %ge3A_317 : i1 to i32
        %cond3A_319 = arith.constant 0 : i32
        %cond3A_320 = arith.cmpi ne, %convert_element_type3A_318, %cond3A_319 : i32
        scf.if %cond3A_320 {
          %dma_wait3A_329 = arith.constant 0 : i32
          %dma_wait3A_330 = arith.constant 0 : i32
          %dma_wait3A_331 = tpu.memref_slice %arg2[%dma_wait3A_329, %dma_wait3A_330] : memref<131072x128xf32, #tpu.memory_space<hbm>> -> memref<64x128xf32, #tpu.memory_space<hbm>>
          %dma_wait3A_332 = arith.constant 0 : i32
          %dma_wait3A_333 = arith.constant 0 : i32
          %dma_wait3A_334 = tpu.memref_slice %arg2[%dma_wait3A_332, %dma_wait3A_333] : memref<131072x128xf32, #tpu.memory_space<hbm>> -> memref<64x128xf32, #tpu.memory_space<hbm>>
          tpu.wait_dma2 semaphore(%arg30 : memref<!tpu.dma_semaphore, #tpu.memory_space<semaphore_mem>>) src(%dma_wait3A_334 : memref<64x128xf32, #tpu.memory_space<hbm>>) dst(%arg14 : memref<64x128xf32, #tpu.memory_space<vmem>>)
        } else {
        }
        %add3A_321 = arith.constant 4 : i32
        %add3A_322 = arith.addi %add3A_296, %add3A_321 : i32
        %mul3A_323 = arith.constant 64 : i32
        %mul3A_324 = arith.muli %add3A_322, %mul3A_323 : i32
        %dma_start3A_325 = tpu.memref_slice %arg9[%mul3A_324] : memref<4096xi32, #tpu.memory_space<vmem>> -> memref<64xi32, #tpu.memory_space<vmem>>
        %dma_start3A_326 = arith.constant 0 : i32
        %dma_start3A_327 = arith.constant 0 : i32
        %dma_start3A_328 = tpu.memref_slice %arg2[%dma_start3A_326, %dma_start3A_327] : memref<131072x128xf32, #tpu.memory_space<hbm>> -> memref<131072x128xf32, #tpu.memory_space<hbm>>
        tpu.enqueue_indirect_dma source(%dma_start3A_328 : memref<131072x128xf32, #tpu.memory_space<hbm>>) target(%arg14 : memref<64x128xf32, #tpu.memory_space<vmem>>) offsets(%dma_start3A_325 : memref<64xi32, #tpu.memory_space<vmem>>) semaphore(%arg22 : memref<!tpu.dma_semaphore, #tpu.memory_space<semaphore_mem>>)
      } else {
      }
    }
    %scan3A_91 = arith.constant 8 : i32
    %dma_wait3A = arith.constant 0 : i32
    %dma_wait3A_92 = arith.constant 0 : i32
    %dma_wait3A_93 = tpu.memref_slice %arg2[%dma_wait3A, %dma_wait3A_92] : memref<131072x128xf32, #tpu.memory_space<hbm>> -> memref<64x128xf32, #tpu.memory_space<hbm>>
    %dma_wait3A_94 = arith.constant 0 : i32
    %dma_wait3A_95 = arith.constant 0 : i32
    %dma_wait3A_96 = tpu.memref_slice %arg2[%dma_wait3A_94, %dma_wait3A_95] : memref<131072x128xf32, #tpu.memory_space<hbm>> -> memref<64x128xf32, #tpu.memory_space<hbm>>
    tpu.wait_dma2 semaphore(%arg27 : memref<!tpu.dma_semaphore, #tpu.memory_space<semaphore_mem>>) src(%dma_wait3A_96 : memref<64x128xf32, #tpu.memory_space<hbm>>) dst(%arg11 : memref<64x128xf32, #tpu.memory_space<vmem>>)
    %dma_wait3A_97 = arith.constant 0 : i32
    %dma_wait3A_98 = arith.constant 0 : i32
    %dma_wait3A_99 = tpu.memref_slice %arg2[%dma_wait3A_97, %dma_wait3A_98] : memref<131072x128xf32, #tpu.memory_space<hbm>> -> memref<64x128xf32, #tpu.memory_space<hbm>>
    %dma_wait3A_100 = arith.constant 0 : i32
    %dma_wait3A_101 = arith.constant 0 : i32
    %dma_wait3A_102 = tpu.memref_slice %arg2[%dma_wait3A_100, %dma_wait3A_101] : memref<131072x128xf32, #tpu.memory_space<hbm>> -> memref<64x128xf32, #tpu.memory_space<hbm>>
    tpu.wait_dma2 semaphore(%arg28 : memref<!tpu.dma_semaphore, #tpu.memory_space<semaphore_mem>>) src(%dma_wait3A_102 : memref<64x128xf32, #tpu.memory_space<hbm>>) dst(%arg12 : memref<64x128xf32, #tpu.memory_space<vmem>>)
    %dma_wait3A_103 = arith.constant 0 : i32
    %dma_wait3A_104 = arith.constant 0 : i32
    %dma_wait3A_105 = tpu.memref_slice %arg2[%dma_wait3A_103, %dma_wait3A_104] : memref<131072x128xf32, #tpu.memory_space<hbm>> -> memref<64x128xf32, #tpu.memory_space<hbm>>
    %dma_wait3A_106 = arith.constant 0 : i32
    %dma_wait3A_107 = arith.constant 0 : i32
    %dma_wait3A_108 = tpu.memref_slice %arg2[%dma_wait3A_106, %dma_wait3A_107] : memref<131072x128xf32, #tpu.memory_space<hbm>> -> memref<64x128xf32, #tpu.memory_space<hbm>>
    tpu.wait_dma2 semaphore(%arg29 : memref<!tpu.dma_semaphore, #tpu.memory_space<semaphore_mem>>) src(%dma_wait3A_108 : memref<64x128xf32, #tpu.memory_space<hbm>>) dst(%arg13 : memref<64x128xf32, #tpu.memory_space<vmem>>)
    %dma_wait3A_109 = arith.constant 0 : i32
    %dma_wait3A_110 = arith.constant 0 : i32
    %dma_wait3A_111 = tpu.memref_slice %arg2[%dma_wait3A_109, %dma_wait3A_110] : memref<131072x128xf32, #tpu.memory_space<hbm>> -> memref<64x128xf32, #tpu.memory_space<hbm>>
    %dma_wait3A_112 = arith.constant 0 : i32
    %dma_wait3A_113 = arith.constant 0 : i32
    %dma_wait3A_114 = tpu.memref_slice %arg2[%dma_wait3A_112, %dma_wait3A_113] : memref<131072x128xf32, #tpu.memory_space<hbm>> -> memref<64x128xf32, #tpu.memory_space<hbm>>
    tpu.wait_dma2 semaphore(%arg30 : memref<!tpu.dma_semaphore, #tpu.memory_space<semaphore_mem>>) src(%dma_wait3A_114 : memref<64x128xf32, #tpu.memory_space<hbm>>) dst(%arg14 : memref<64x128xf32, #tpu.memory_space<vmem>>)
    %dma_wait3A_115 = arith.constant 0 : i32
    %dma_wait3A_116 = arith.constant 0 : i32
    %dma_wait3A_117 = tpu.memref_slice %arg2[%dma_wait3A_115, %dma_wait3A_116] : memref<131072x128xf32, #tpu.memory_space<hbm>> -> memref<64x128xf32, #tpu.memory_space<hbm>>
    %dma_wait3A_118 = arith.constant 0 : i32
    %dma_wait3A_119 = arith.constant 0 : i32
    %dma_wait3A_120 = tpu.memref_slice %arg2[%dma_wait3A_118, %dma_wait3A_119] : memref<131072x128xf32, #tpu.memory_space<hbm>> -> memref<64x128xf32, #tpu.memory_space<hbm>>
    tpu.wait_dma2 semaphore(%arg31 : memref<!tpu.dma_semaphore, #tpu.memory_space<semaphore_mem>>) src(%dma_wait3A_120 : memref<64x128xf32, #tpu.memory_space<hbm>>) dst(%arg15 : memref<64x128xf32, #tpu.memory_space<vmem>>)
    %dma_wait3A_121 = arith.constant 0 : i32
    %dma_wait3A_122 = arith.constant 0 : i32
    %dma_wait3A_123 = tpu.memref_slice %arg2[%dma_wait3A_121, %dma_wait3A_122] : memref<131072x128xf32, #tpu.memory_space<hbm>> -> memref<64x128xf32, #tpu.memory_space<hbm>>
    %dma_wait3A_124 = arith.constant 0 : i32
    %dma_wait3A_125 = arith.constant 0 : i32
    %dma_wait3A_126 = tpu.memref_slice %arg2[%dma_wait3A_124, %dma_wait3A_125] : memref<131072x128xf32, #tpu.memory_space<hbm>> -> memref<64x128xf32, #tpu.memory_space<hbm>>
    tpu.wait_dma2 semaphore(%arg32 : memref<!tpu.dma_semaphore, #tpu.memory_space<semaphore_mem>>) src(%dma_wait3A_126 : memref<64x128xf32, #tpu.memory_space<hbm>>) dst(%arg16 : memref<64x128xf32, #tpu.memory_space<vmem>>)
    %dma_wait3A_127 = arith.constant 0 : i32
    %dma_wait3A_128 = arith.constant 0 : i32
    %dma_wait3A_129 = tpu.memref_slice %arg2[%dma_wait3A_127, %dma_wait3A_128] : memref<131072x128xf32, #tpu.memory_space<hbm>> -> memref<64x128xf32, #tpu.memory_space<hbm>>
    %dma_wait3A_130 = arith.constant 0 : i32
    %dma_wait3A_131 = arith.constant 0 : i32
    %dma_wait3A_132 = tpu.memref_slice %arg2[%dma_wait3A_130, %dma_wait3A_131] : memref<131072x128xf32, #tpu.memory_space<hbm>> -> memref<64x128xf32, #tpu.memory_space<hbm>>
    tpu.wait_dma2 semaphore(%arg33 : memref<!tpu.dma_semaphore, #tpu.memory_space<semaphore_mem>>) src(%dma_wait3A_132 : memref<64x128xf32, #tpu.memory_space<hbm>>) dst(%arg17 : memref<64x128xf32, #tpu.memory_space<vmem>>)
    %dma_wait3A_133 = arith.constant 0 : i32
    %dma_wait3A_134 = arith.constant 0 : i32
    %dma_wait3A_135 = tpu.memref_slice %arg2[%dma_wait3A_133, %dma_wait3A_134] : memref<131072x128xf32, #tpu.memory_space<hbm>> -> memref<64x128xf32, #tpu.memory_space<hbm>>
    %dma_wait3A_136 = arith.constant 0 : i32
    %dma_wait3A_137 = arith.constant 0 : i32
    %dma_wait3A_138 = tpu.memref_slice %arg2[%dma_wait3A_136, %dma_wait3A_137] : memref<131072x128xf32, #tpu.memory_space<hbm>> -> memref<64x128xf32, #tpu.memory_space<hbm>>
    tpu.wait_dma2 semaphore(%arg34 : memref<!tpu.dma_semaphore, #tpu.memory_space<semaphore_mem>>) src(%dma_wait3A_138 : memref<64x128xf32, #tpu.memory_space<hbm>>) dst(%arg18 : memref<64x128xf32, #tpu.memory_space<vmem>>)
    return
  }
}

module attributes {stable_mosaic.version = 14 : i64} {
  func.func @_keys_body(%arg0: i32, %arg1: memref<1x4096x128xf32, #tpu.memory_space<vmem>>, %arg2: memref<1x1x4096xf32, #tpu.memory_space<vmem>>) attributes {dimension_semantics = [#tpu.dimension_semantics<arbitrary>], iteration_bounds = array<i64: 32>, scalar_prefetch = 0 : i64, scratch_operands = 0 : i64, tpu.core_type = #tpu.core_type<tc>, window_params = [{transform_indices = @transform_0, window_bounds = array<i64: 1, 4096, 128>}, {transform_indices = @transform_1, window_bounds = array<i64: 1, 1, 4096>}]} {
    %get3A = arith.constant 0 : index
    %get3A_0 = arith.constant 0 : index
    %get3A_1 = arith.constant 0 : index
    %get3A_2 = vector.load %arg1[%get3A, %get3A_0, %get3A_1] : memref<1x4096x128xf32, #tpu.memory_space<vmem>>, vector<1x4096x128xf32>
    %get3A_3 = vector.shape_cast %get3A_2 : vector<1x4096x128xf32> to vector<4096x128xf32>
    %transpose3A = tpu.transpose %get3A_3, [1, 0] : vector<4096x128xf32> -> vector<128x4096xf32>
    %slice3A = vector.extract_strided_slice %transpose3A {offsets = [0, 0], sizes = [8, 4096], strides = [1, 1]} : vector<128x4096xf32> to vector<8x4096xf32>
    %slice3A_4 = vector.extract_strided_slice %transpose3A {offsets = [8, 0], sizes = [8, 4096], strides = [1, 1]} : vector<128x4096xf32> to vector<8x4096xf32>
    %add3A = arith.addf %slice3A, %slice3A_4 : vector<8x4096xf32>
    %slice3A_5 = vector.extract_strided_slice %transpose3A {offsets = [16, 0], sizes = [8, 4096], strides = [1, 1]} : vector<128x4096xf32> to vector<8x4096xf32>
    %add3A_6 = arith.addf %add3A, %slice3A_5 : vector<8x4096xf32>
    %slice3A_7 = vector.extract_strided_slice %transpose3A {offsets = [24, 0], sizes = [8, 4096], strides = [1, 1]} : vector<128x4096xf32> to vector<8x4096xf32>
    %add3A_8 = arith.addf %add3A_6, %slice3A_7 : vector<8x4096xf32>
    %slice3A_9 = vector.extract_strided_slice %transpose3A {offsets = [32, 0], sizes = [8, 4096], strides = [1, 1]} : vector<128x4096xf32> to vector<8x4096xf32>
    %add3A_10 = arith.addf %add3A_8, %slice3A_9 : vector<8x4096xf32>
    %slice3A_11 = vector.extract_strided_slice %transpose3A {offsets = [40, 0], sizes = [8, 4096], strides = [1, 1]} : vector<128x4096xf32> to vector<8x4096xf32>
    %add3A_12 = arith.addf %add3A_10, %slice3A_11 : vector<8x4096xf32>
    %slice3A_13 = vector.extract_strided_slice %transpose3A {offsets = [48, 0], sizes = [8, 4096], strides = [1, 1]} : vector<128x4096xf32> to vector<8x4096xf32>
    %add3A_14 = arith.addf %add3A_12, %slice3A_13 : vector<8x4096xf32>
    %slice3A_15 = vector.extract_strided_slice %transpose3A {offsets = [56, 0], sizes = [8, 4096], strides = [1, 1]} : vector<128x4096xf32> to vector<8x4096xf32>
    %add3A_16 = arith.addf %add3A_14, %slice3A_15 : vector<8x4096xf32>
    %slice3A_17 = vector.extract_strided_slice %transpose3A {offsets = [64, 0], sizes = [8, 4096], strides = [1, 1]} : vector<128x4096xf32> to vector<8x4096xf32>
    %add3A_18 = arith.addf %add3A_16, %slice3A_17 : vector<8x4096xf32>
    %slice3A_19 = vector.extract_strided_slice %transpose3A {offsets = [72, 0], sizes = [8, 4096], strides = [1, 1]} : vector<128x4096xf32> to vector<8x4096xf32>
    %add3A_20 = arith.addf %add3A_18, %slice3A_19 : vector<8x4096xf32>
    %slice3A_21 = vector.extract_strided_slice %transpose3A {offsets = [80, 0], sizes = [8, 4096], strides = [1, 1]} : vector<128x4096xf32> to vector<8x4096xf32>
    %add3A_22 = arith.addf %add3A_20, %slice3A_21 : vector<8x4096xf32>
    %slice3A_23 = vector.extract_strided_slice %transpose3A {offsets = [88, 0], sizes = [8, 4096], strides = [1, 1]} : vector<128x4096xf32> to vector<8x4096xf32>
    %add3A_24 = arith.addf %add3A_22, %slice3A_23 : vector<8x4096xf32>
    %slice3A_25 = vector.extract_strided_slice %transpose3A {offsets = [96, 0], sizes = [8, 4096], strides = [1, 1]} : vector<128x4096xf32> to vector<8x4096xf32>
    %add3A_26 = arith.addf %add3A_24, %slice3A_25 : vector<8x4096xf32>
    %slice3A_27 = vector.extract_strided_slice %transpose3A {offsets = [104, 0], sizes = [8, 4096], strides = [1, 1]} : vector<128x4096xf32> to vector<8x4096xf32>
    %add3A_28 = arith.addf %add3A_26, %slice3A_27 : vector<8x4096xf32>
    %slice3A_29 = vector.extract_strided_slice %transpose3A {offsets = [112, 0], sizes = [8, 4096], strides = [1, 1]} : vector<128x4096xf32> to vector<8x4096xf32>
    %add3A_30 = arith.addf %add3A_28, %slice3A_29 : vector<8x4096xf32>
    %slice3A_31 = vector.extract_strided_slice %transpose3A {offsets = [120, 0], sizes = [8, 4096], strides = [1, 1]} : vector<128x4096xf32> to vector<8x4096xf32>
    %add3A_32 = arith.addf %add3A_30, %slice3A_31 : vector<8x4096xf32>
    %slice3A_33 = vector.extract_strided_slice %add3A_32 {offsets = [0, 0], sizes = [4, 4096], strides = [1, 1]} : vector<8x4096xf32> to vector<4x4096xf32>
    %slice3A_34 = vector.extract_strided_slice %add3A_32 {offsets = [4, 0], sizes = [4, 4096], strides = [1, 1]} : vector<8x4096xf32> to vector<4x4096xf32>
    %add3A_35 = arith.addf %slice3A_33, %slice3A_34 : vector<4x4096xf32>
    %slice3A_36 = vector.extract_strided_slice %add3A_35 {offsets = [0, 0], sizes = [2, 4096], strides = [1, 1]} : vector<4x4096xf32> to vector<2x4096xf32>
    %slice3A_37 = vector.extract_strided_slice %add3A_35 {offsets = [2, 0], sizes = [2, 4096], strides = [1, 1]} : vector<4x4096xf32> to vector<2x4096xf32>
    %add3A_38 = arith.addf %slice3A_36, %slice3A_37 : vector<2x4096xf32>
    %slice3A_39 = vector.extract_strided_slice %add3A_38 {offsets = [0, 0], sizes = [1, 4096], strides = [1, 1]} : vector<2x4096xf32> to vector<1x4096xf32>
    %squeeze3A = vector.shape_cast %slice3A_39 : vector<1x4096xf32> to vector<4096xf32>
    %slice3A_40 = vector.extract_strided_slice %add3A_38 {offsets = [1, 0], sizes = [1, 4096], strides = [1, 1]} : vector<2x4096xf32> to vector<1x4096xf32>
    %squeeze3A_41 = vector.shape_cast %slice3A_40 : vector<1x4096xf32> to vector<4096xf32>
    %add3A_42 = arith.addf %squeeze3A, %squeeze3A_41 : vector<4096xf32>
    %swap3A = arith.constant 0 : index
    %swap3A_43 = arith.constant 0 : index
    %swap3A_44 = arith.constant 0 : index
    %swap3A_45 = vector.load %arg2[%swap3A, %swap3A_43, %swap3A_44] : memref<1x1x4096xf32, #tpu.memory_space<vmem>>, vector<1x1x4096xf32>
    %swap3A_46 = vector.shape_cast %swap3A_45 : vector<1x1x4096xf32> to vector<4096xf32>
    %swap3A_47 = vector.shape_cast %add3A_42 : vector<4096xf32> to vector<1x1x4096xf32>
    tpu.vector_store %arg2[%swap3A, %swap3A_43, %swap3A_44], %swap3A_47 {strides = array<i32>} : memref<1x1x4096xf32, #tpu.memory_space<vmem>>, vector<1x1x4096xf32>,
    return
  }
  func.func @transform_0(%arg0: i32) -> (i32, i32, i32) {
    %c0_i32 = arith.constant 0 : i32
    %c0_i32_0 = arith.constant 0 : i32
    %c0_i32_1 = arith.constant 0 : i32
    return %arg0, %c0_i32, %c0_i32_0 : i32, i32, i32
  }
  func.func @transform_1(%arg0: i32) -> (i32, i32, i32) {
    %c0_i32 = arith.constant 0 : i32
    %c0_i32_0 = arith.constant 0 : i32
    %c0_i32_1 = arith.constant 0 : i32
    return %arg0, %c0_i32, %c0_i32_0 : i32, i32, i32
  }
}

</mosaic_0001>

<sc_bundles>
// kernel: kernel.4.cloned.1.call-start
scs
__scs_entry_jumppad:
0x0: {  	(pc) =	sbr.rel $0x88, $3  }
0x1: {  	(tag) =	ssettag $0x0;
	lr =	simm.s32 $0x1  }
0x2: {  	[smem:$0x3FA0] =	sst lr;
	_ =	strace $0xD0000000  }
0x3: {  	_ = 	snop  }
0x4: {  	_ = 	snop  }
0x5: {  	_ = 	snop  }
0x6: {  	_ = 	snop  }
0x7: {  	_ = 	snop  }
__scs_overlays_trampoline_lowered:
0x8: {  	[smem:$0x3FAF] =	sst s0  }
0x9: {  	[smem:$0x3FB0] =	sst s1  }
0xa: {  	[smem:$0x3FB1] =	sst s2  }
0xb: {  	[smem:$0x3FB2] =	sst s3  }
0xc: {  	[smem:$0x3FB3] =	sst s4  }
0xd: {  	[smem:$0x3FB4] =	sst s5  }
0xe: {  	[smem:$0x3FB5] =	sst s6  }
0xf: {  	[smem:$0x3FB6] =	sst s7  }
0x10: {  	[smem:$0x3FB7] =	sst s8  }
0x11: {  	[smem:$0x3FB8] =	sst s9;
	s0 =	simm.s32 @!p0 $0x0  }
0x12: {  	s1 =	sld [smem:$0x3F9E];
	s0 =	simm.s32 @p0 $0x1  }
0x13: {  	[smem:$0x3FB9] =	sst s0;
	s0 =	simm.s32 @!p1 $0x0  }
0x14: {  	s2 =	sld [smem:$0x3F9D];
	s0 =	simm.s32 @p1 $0x1  }
0x15: {  	[smem:$0x3FBA] =	sst s0;
	s0 =	simm.s32 @!p2 $0x0  }
0x16: {  	s3 =	sld [smem:$0x3FDB];
	s0 =	simm.s32 @p2 $0x1  }
0x17: {  	s4 =	simm.s32 $0x1BF5;
	[smem:$0x3FBC] =	sst s0  }
0x18: {  	s0 =	sld [smem:$0x3F9F];
	_ =	swait.ge [sflag:s4], $0x0  }
0x19: {  	s7 =	sld [smem:$0x3FA0]  }
0x1a: {  	s8 =	sadd.s32 $0xFFFFE003, lr  }
0x1b: {  	s9 =	sadd.s32 $0xFFFFFEF7, lr;
	s5 =	simm.s32 $0xFFFFFFFF;
	p2 =	slt.u32 s8, $0xFFFFF086  }
0x1c: {  	p1 =	slt.u32 s9, $0xF7A;
	s5 =	simm.s32 @!p2 $0x0  }
0x1d: {  	s5 =	simm.s32 @p1 $0x1;
	p0 =	seq.s32 s7, s2  }
0x1e: {  	s7 =	smul.u32 @!p0 $0xF7A, s2;
	p2 =	seq.s32 @!p0 s5, $0x0  }
0x1f: {  	s9 =	smul.u32 $0xF7A, s1;
	s8 =	simm.s32 @!p0 $0x1BF5;
	p2 =	por !p2, p0  }
0x20: {  	[sflag:s8] =	ssyncset.s32 @!p0 $0xFFFFF086;
	s6 =	sadd.s32 @!p0 s3, s7;
	s7 =	simm.s32 @!p0 $0x108  }
0x21: {  	s3 =	sadd.s32 s3, s9;
	s6 =	sadd.s32 @!p0 $0x88, s6;
	s7 =	simm.s32 @p2 $0x1082  }
0x22: {  	[simem:s7], [sflag:s8] =	dma.local @!p0 [hbm:s6], $0xF7A  }
0x23: {  	s9 =	sor.u32 $0xD0000000, s2;
	s6 =	simm.s32 $0x108;
	_ =	swait.ge @!p0 [sflag:s8], $0x0  }
0x24: {  	s3 =	sadd.s32 $0x88, s3;
	s6 =	simm.s32 @!p1 $0x1082;
	[sflag:s4] =	ssyncset.s32 $0xFFFFF086  }
0x25: {  	[simem:s6], [sflag:s4] =	dma.local [hbm:s3], $0xF7A  }
0x26: {  	[smem:$0x3FA0] =	sst s1;
	(tag) =	ssettag s2;
	_ =	strace s9  }
0x27: {  	s1 =	sld [smem:$0x3FB0]  }
0x28: {  	s2 =	sld [smem:$0x3FB1]  }
0x29: {  	s4 =	sld [smem:$0x3FB3]  }
0x2a: {  	p0 =	seq.s32 s5, $0x0;
	s5 =	sld [smem:$0x3FB4]  }
0x2b: {  	s6 =	sld [smem:$0x3FB5]  }
0x2c: {  	s7 =	sld [smem:$0x3FB6]  }
0x2d: {  	s3 =	simm.s32 $0x108;
	s8 =	sld [smem:$0x3FB7]  }
0x2e: {  	s3 =	simm.s32 @!p0 $0x1082;
	s9 =	sld [smem:$0x3FB8]  }
0x2f: {  	lr =	sadd.s32 s0, s3;
	s0 =	sld [smem:$0x3FAF]  }
0x30: {  	s3 =	sld [smem:$0x3FB2]  }
0x31: {  	[smem:$0x3FBB] =	sst s10  }
0x32: {  	s10 =	sld [smem:$0x3FB9];
	_ =	sdelay $0x3  }
0x33: {  	p0 =	seq.s32 s10, $0x1;
	s10 =	sld [smem:$0x3FBB];
	_ =	sdelay $0x3  }
0x34: {  	[smem:$0x3FBB] =	sst s10  }
0x35: {  	s10 =	sld [smem:$0x3FBA];
	_ =	sdelay $0x3  }
0x36: {  	p1 =	seq.s32 s10, $0x1;
	s10 =	sld [smem:$0x3FBB];
	_ =	sdelay $0x3  }
0x37: {  	[smem:$0x3FBB] =	sst s10  }
0x38: {  	s10 =	sld [smem:$0x3FBC]  }
0x39: {  	_ = 	snop;
	(pc) =	sbr.ind lr, $3  }
0x3a: {  	_ = 	snop  }
0x3b: {  	_ = 	snop  }
0x3c: {  	p2 =	seq.s32 s10, $0x1;
	s10 =	sld [smem:$0x3FBB]  }
0x3d: {  	_ =	shalt  }
0x3e: {  	_ =	shalt  }
0x3f: {  	_ =	shalt  }
0x40: {  	_ =	shalt  }
0x41: {  	_ =	shalt  }
0x42: {  	_ =	shalt  }
0x43: {  	_ =	shalt  }
0x44: {  	_ =	shalt  }
0x45: {  	_ =	shalt  }
0x46: {  	_ =	shalt  }
0x47: {  	_ =	shalt  }
0x48: {  	_ =	shalt  }
0x49: {  	_ =	shalt  }
0x4a: {  	_ =	shalt  }
0x4b: {  	_ =	shalt  }
0x4c: {  	_ =	shalt  }
0x4d: {  	_ =	shalt  }
0x4e: {  	_ =	shalt  }
0x4f: {  	_ =	shalt  }
0x50: {  	_ =	shalt  }
0x51: {  	_ =	shalt  }
0x52: {  	_ =	shalt  }
0x53: {  	_ =	shalt  }
0x54: {  	_ =	shalt  }
0x55: {  	_ =	shalt  }
0x56: {  	_ =	shalt  }
0x57: {  	_ =	shalt  }
0x58: {  	_ =	shalt  }
0x59: {  	_ =	shalt  }
0x5a: {  	_ =	shalt  }
0x5b: {  	_ =	shalt  }
0x5c: {  	_ =	shalt  }
0x5d: {  	_ =	shalt  }
0x5e: {  	_ =	shalt  }
0x5f: {  	_ =	shalt  }
0x60: {  	_ =	shalt  }
0x61: {  	_ =	shalt  }
0x62: {  	_ =	shalt  }
0x63: {  	_ =	shalt  }
0x64: {  	_ =	shalt  }
0x65: {  	_ =	shalt  }
0x66: {  	_ =	shalt  }
0x67: {  	_ =	shalt  }
0x68: {  	_ =	shalt  }
0x69: {  	_ =	shalt  }
0x6a: {  	_ =	shalt  }
0x6b: {  	_ =	shalt  }
0x6c: {  	_ =	shalt  }
0x6d: {  	_ =	shalt  }
0x6e: {  	_ =	shalt  }
0x6f: {  	_ =	shalt  }
0x70: {  	_ =	shalt  }
0x71: {  	_ =	shalt  }
0x72: {  	_ =	shalt  }
0x73: {  	_ =	shalt  }
0x74: {  	_ =	shalt  }
0x75: {  	_ =	shalt  }
0x76: {  	_ =	shalt  }
0x77: {  	_ =	shalt  }
0x78: {  	_ =	shalt  }
0x79: {  	_ =	shalt  }
0x7a: {  	_ =	shalt  }
0x7b: {  	_ =	shalt  }
0x7c: {  	_ =	shalt  }
0x7d: {  	_ =	shalt  }
0x7e: {  	_ =	shalt  }
0x7f: {  	_ =	shalt  }
0x80: {  	_ =	shalt  }
0x81: {  	_ =	shalt  }
0x82: {  	_ =	shalt  }
0x83: {  	_ =	shalt  }
0x84: {  	_ =	shalt  }
0x85: {  	_ =	shalt  }
0x86: {  	_ =	shalt  }
0x87: {  	_ =	shalt  }
.Lfunc_end0:
.L_simem_size_0:
called_computation_lowered:
.L_overlay_start_0:
0x88: {  	s2 =	sld [smem:$0x3FD9]  }
0x89: {  	s3 =	sld [smem:$0x3FFE];
	_ =	sdelay $0x1  }
0x8a: {  	s1 =	srdreg.scid  }
0x8b: {  	s0 =	sand.u32 $0x1, s1  }
0x8c: {  	s17 =	sshll.u32 s0, $0xA;
	s2 =	sadd.s32 s3, s2  }
0x8d: {  	s2 =	sadd.s32 s2, s17  }
0x8e: {  	[smem:$0x3FC7] =	sst s2  }
0x8f: {  	_ = 	snop  }
0x90: {  	s2 =	sld [smem:$0x3FC9]  }
0x91: {  	s18 =	sld [smem:$0x3FD0];
	(tm) =	ssettm $0x1  }
0x92: {  	s4 =	sld [smem:$0x3FFB];
	_ =	sdelay $0x3  }
0x93: {  	_ =	strace s4  }
0x94: {  	s4 =	sld [smem:$0x3FFC];
	_ =	sdelay $0x3  }
0x95: {  	_ =	strace s4  }
0x96: {  	s4 =	sld [smem:$0x3FFD];
	_ =	sdelay $0x3  }
0x97: {  	_ =	strace s4  }
0x98: {  	_ =	strace $0x8FFFFFFF  }
0x99: {  	s19 =	sld [smem:$0x3FDB];
	_ =	sdelay $0x1  }
0x9a: {  	s5 =	simm.s32 $_scs_section_size  }
0x9b: {  	s6 =	simm.s32 $_size__tile_overlayer_lowered;
	s7 =	simm.s32 $_tile_overlayer_lowered  }
0x9c: {  	s22 =	simm.s32 $0x1BFF;
	s21 =	sshll.u32 s7, $0x1;
	s4 =	sadd.s32 s5, s19  }
0x9d: {  	s8 =	simm.s32 $0x0;
	s20 =	sshll.u32 s6, $0x1;
	s6 =	sadd.s32 s21, s4  }
0x9e: {  	[timem:s8], [sflag:s22] =	dma.local [hbm:s6], s20  }
0x9f: {  	_ =	swait.ge [sflag:s22], s20  }
0xa0: {  	s5 =	ssub.s32 $0x0, s20;
	[sflag:s22] =	ssyncset.done $0x0  }
0xa1: {  	[sflag:s22] =	ssyncadd.s32 s5;
	_ =	sdelay $0x1  }
0xa2: {  	s23 =	simm.s32 $0x1B8B  }
0xa3: {  	_ =	swait.ge [sflag:s23], $0x1  }
0xa4: {  	[sflag:s23] =	ssyncset.done $0x0  }
0xa5: {  	s25 =	simm.s32 $0x1B8E;
	s24 =	sld [smem:$0x3FFE];
	[sflag:s23] =	ssyncadd.s32 $0xFFFFFFFF  }
0xa6: {  	s26 =	simm.s32 $execute0_lowered;
	[smem:$0x3FD2] =	sst s25  }
0xa7: {  	s6 =	sshll.u32 s26, $0x1;
	_ =	strace $0x80000046;
	[dreg:$0x1] =	wrdreg $0xFFFFFFFF  }
0xa8: {  	s28 =	simm.s32 $_size_execute0_lowered;
	s4 =	sadd.s32 s4, s6;
	[dreg:$0x0] =	wrdreg $0x0  }
0xa9: {  	s6 =	sshll.u32 s28, $0x1;
	[dreg:$0x2] =	wrdreg s4  }
0xaa: {  	[dreg:$0x3] =	wrdreg s6  }
0xab: {  	[dreg:$0x4] =	wrdreg $0xC0  }
0xac: {  	_ =	task [dreg:s8], $0x5FFFF  }
0xad: {  	[dreg:$0x1] =	wrdreg $0xFFFFFFFF  }
0xae: {  	[dreg:$0x0] =	wrdreg $0x60  }
0xaf: {  	[dreg:$0x2] =	wrdreg s2  }
0xb0: {  	[dreg:$0x3] =	wrdreg s24  }
0xb1: {  	[dreg:$0x4] =	wrdreg s18  }
0xb2: {  	[dreg:$0x5] =	wrdreg $0x9  }
0xb3: {  	_ =	task.clear_ibuf [dreg:s8], $0x6FFFF;
	_ =	strace $0x90000046  }
0xb4: {  	s29 =	simm.s32 $0x9;
	_ =	strace $0x80000048  }
0xb5: {  	_ =	swait.ge [sflag:s29], $0x1  }
0xb6: {  	[sflag:s29] =	ssyncadd.s32 $0xFFFFFFFF  }
0xb7: {  	_ =	strace $0x90000048  }
0xb8: {  	_ =	sfence  }
0xb9: {  	s30 =	sld [smem:$0x0];
	_ =	sdelay $0x2  }
0xba: {  	s31 =	sshll.u32 s1, $0xD;
	s1 =	sshrl.u32 s1, $0x2  }
0xbb: {  	s3 =	sand.u32 $0x4000, s31;
	s1 =	sadd.s32 s1, s30  }
0xbc: {  	s0 =	sor.u32 s3, s0;
	s1 =	sshll.u32 s1, $0x11  }
0xbd: {  	s0 =	sor.u32 s1, s0  }
0xbe: {  	s0 =	sadd.s32 $0x8F2B, s0  }
0xbf: {  	[sflag:s0] =	ssyncadd.remote.s32 $0x1  }
0xc0: {  	_ =	sfence.sel $0xFFFF  }
0xc1: {  	[dreg:$0x0] =	wrdreg $0xFFFFFFFF;
	(pc) =	sbr.abs _section_cstart, $3  }
0xc2: {  	[dreg:$0x1] =	wrdreg $0xFFFFFFFF  }
0xc3: {  	_ =	task.clear_ibuf [dreg:s8], $0x2FFFF;
	_ =	strace $0x9FFFFFFF  }
0xc4: {  	(tm) =	ssettm $0x7FFFFFFF  }
0xc5: {  	_ =	shalt  }
tec
execute0_lowered:
.L_overlay_start_1:
0x0: {  	(tag) =	ssettag $0x1  }
0x1: {  	s1 =	rddreg [dreg:$0x0]  }
0x2: {  	s0 =	rddreg [dreg:$0x1];
	s2 =	srdreg.scid  }
0x3: {  	s10 =	stileid.u32;
	s4 =	rddreg [dreg:$0x2];
	s13 =	simm.s32 $0x5000  }
0x4: {  	s14 =	simm.s32 $0x3000;
	s15 =	simm.s32 $0x4000;
	s16 =	simm.s32 $0x1000  }
0x5: {  	s17 =	simm.s32 $0x2000;
	s18 =	simm.s32 $0x40;
	s28 =	simm.s32 $0xD800  }
0x6: {  	s29 =	simm.s32 $0x2;
	s31 =	simm.s32 $0x3;
	s11 =	simm.s32 $0x5  }
0x7: {  	s20 =	simm.s32 $0x7;
	s22 =	simm.s32 $0x8;
	s2 =	sand.u32 $0x1, s2  }
0x8: {  	s3 =	sshll.u32 s10, $0x1;
	s7 =	sshll.u32 s10, $0xD;
	s26 =	sshll.u32 s10, $0x11  }
0x9: {  	s10 =	simm.s32 $0x13800;
	s5 =	sor.u32 s2, s3;
	s3 =	simm.s32 $0x0  }
0xa: {  	s8 =	ssub.s32 $0x2, s2;
	s25 =	sshll.u32 s2, $0xC;
	s2 =	sshll.u32 s2, $0x10  }
0xb: {  	s6 =	sshll.u32 s5, $0x7;
	[smem:$0x7FF] =	sst s3;
	s5 =	sshll.u32 s5, $0x10  }
0xc: {  	s23 =	sshrl.u32 s8, $0x1;
	s6 =	sor.u32 s6, s7;
	_ =	strace $0x80000047  }
0xd: {  	s9 =	sadd.s32 s5, s4;
	s4 =	sadd.s32 s26, s4;
	s26 =	simm.s32 $0x1  }
0xe: {  	s6 =	sand.u32 $0x18380, s6;
	s5 =	sadd.s32 $0xF400, s9;
	s24 =	sadd.s32 $0xFC00, s9  }
0xf: {  	s30 =	sadd.s32 s2, s4;
	s6 =	sshrl.u32 s6, $0x3;
	[dreg:$0x5] =	wrdreg s24  }
0x10: {  	s2 =	simm.s32 $0x11800;
	[dreg:$0x8] =	wrdreg s30;
	s0 =	sadd.s32 s6, s0  }
.Ltmp0:
0x11: {  	s6 =	ssub.s32 s8, s23;
	s0 =	sadd.s32 $0x400, s0;
	(pc) =	sbr.rel .LBB2_1-.Ltmp0, $4  }
0x12: {  	s9 =	simm.s32 $0x0;
	s6 =	smax.u32 s6, $0x1;
	[dreg:$0x4] =	wrdreg s0  }
0x13: {  	s23 =	simm.s32 $0x9800;
	s0 =	sor.u32 s25, s7;
	[dreg:$0x6] =	wrdreg s6  }
0x14: {  	s25 =	simm.s32 $0xB800;
	s6 =	simm.s32 $0xB;
	s0 =	sor.u32 $0x30, s0  }
0x15: {  	v0 =	vimm.s32 $0x0;
	v1 =	vlaneseq.u32;
	s7 =	simm.s32 $0xC;
	[dreg:$0x7] =	wrdreg s0;
	s0 =	simm.s32 $0x4  }
.LBB2_28:
0x16: {  	_ =	swait.ge [sflag:s22], $0x2000  }
0x17: {  	[sflag:s22] =	ssyncset.done $0x0  }
0x18: {  	s9 =	simm.s32 $0x9;
	s4 =	rddreg [dreg:$0x5];
	[sflag:s22] =	ssyncadd.s32 $0xFFFFE000  }
0x19: {  	[hbm4b:s4+s3] =	stream.linear.scatter [tilespmem:s10], [sflag:$0x10], $0x2000, $0x38;
	[tilespmem:$0x15800] =	vst v63  }
0x1a: {  	_ =	swait.ge [sflag:s9], $0x2000  }
0x1b: {  	[sflag:s9] =	ssyncset.done $0x0  }
0x1c: {  	s12 =	simm.s32 $0xA;
	[sflag:s9] =	ssyncadd.s32 $0xFFFFE000  }
0x1d: {  	_ =	swait.ge [sflag:s12], $0x2000  }
0x1e: {  	[sflag:s12] =	ssyncset.done $0x0  }
0x1f: {  	[sflag:s12] =	ssyncadd.s32 $0xFFFFE000  }
0x20: {  	_ =	swait.ge [sflag:s6], $0x2000  }
0x21: {  	[sflag:s6] =	ssyncset.done $0x0  }
0x22: {  	[sflag:s6] =	ssyncadd.s32 $0xFFFFE000  }
0x23: {  	_ =	swait.ge [sflag:s7], $0x2000  }
0x24: {  	[sflag:s7] =	ssyncset.done $0x0  }
0x25: {  	s19 =	simm.s32 $0xD;
	[sflag:s7] =	ssyncadd.s32 $0xFFFFE000  }
0x26: {  	_ =	swait.ge [sflag:s19], $0x2000  }
0x27: {  	[sflag:s19] =	ssyncset.done $0x0  }
0x28: {  	s21 =	simm.s32 $0xE;
	[sflag:s19] =	ssyncadd.s32 $0xFFFFE000  }
0x29: {  	_ =	swait.ge [sflag:s21], $0x2000  }
0x2a: {  	[sflag:s21] =	ssyncset.done $0x0  }
0x2b: {  	s24 =	simm.s32 $0xF;
	[sflag:s21] =	ssyncadd.s32 $0xFFFFE000  }
0x2c: {  	_ =	swait.ge [sflag:s24], $0x2000  }
0x2d: {  	[sflag:s24] =	ssyncset.done $0x0  }
0x2e: {  	s8 =	simm.s32 $0x10;
	[sflag:s24] =	ssyncadd.s32 $0xFFFFE000  }
0x2f: {  	_ =	swait.ge [sflag:s8], $0x2000  }
0x30: {  	s9 =	rddreg [dreg:$0x9]  }
0x31: {  	s30 =	rddreg [dreg:$0x6];
	s9 =	sadd.s32 $0x1, s9  }
0x32: {  	p0 =	sne.s32 s9, s30  }
.Ltmp1:
0x33: {  	_ = 	snop;
	(pc) =	sbr.rel @!p0 .LBB2_29-.Ltmp1, $3  }
0x34: {  	_ =	sdelay $0x1  }
0x35: {  	[sflag:s8] =	ssyncset.done $0x0  }
0x36: {  	[sflag:s8] =	ssyncadd.s32 $0xFFFFE000  }
.LBB2_1:
0x37: {  	[dreg:$0x9] =	wrdreg s9  }
0x38: {  	s4 =	rddreg [dreg:$0x4]  }
0x39: {  	s8 =	simm.s32 $0x80;
	s24 =	simm.s32 $0x400;
	s30 =	simm.s32 $0x11  }
0x3a: {  	[tilespmem:s3], [sflag:$0x11] =	stream.strided.gather [hbm4b:s4+s8], $0x1000, s24, s8, $0x38;
	[tilespmem:$0x15800] =	vst v63  }
0x3b: {  	_ =	swait.ge [sflag:s30], $0x1000  }
0x3c: {  	[sflag:s30] =	ssyncset.done $0x0  }
0x3d: {  	s12 =	simm.s32 $0x5040;
	[sflag:s30] =	ssyncadd.s32 $0xFFFFF000  }
0x3e: {  	[tilespmem:s12+$0xFFFFFFC0] =	vst v0  }
0x3f: {  	[tilespmem:s12+$0x30] =	vst v0  }
0x40: {  	[tilespmem:s12+$0x20] =	vst v0  }
0x41: {  	[tilespmem:s12+$0x10] =	vst v0  }
0x42: {  	[tilespmem:s12+$0x0] =	vst v0  }
0x43: {  	[tilespmem:s12+$0xFFFFFFF0] =	vst v0  }
0x44: {  	s24 =	simm.s32 $0x0;
	s8 =	simm.s32 $0x20;
	[tilespmem:s12+$0xFFFFFFE0] =	vst v0  }
.LBB2_2:
0x45: {  	s24 =	sadd.s32 $0x8, s24;
	[tilespmem:s12+$0xFFFFFFD0] =	vst v0;
	s12 =	sadd.s32 $0x80, s12;
	s9 =	simm.s32 $0xFFFFFFFC  }
0x46: {  	[tilespmem:s12+$0xFFFFFFC0] =	vst v0;
	p0 =	slt.u32 s24, $0x78  }
0x47: {  	[tilespmem:s12+$0x30] =	vst v0  }
.Ltmp2:
0x48: {  	[tilespmem:s12+$0x20] =	vst v0;
	(pc) =	sbr.rel @p0 .LBB2_2-.Ltmp2, $4  }
0x49: {  	[tilespmem:s12+$0x10] =	vst v0  }
0x4a: {  	[tilespmem:s12+$0x0] =	vst v0  }
0x4b: {  	[tilespmem:s12+$0xFFFFFFF0] =	vst v0  }
0x4c: {  	[tilespmem:s12+$0xFFFFFFE0] =	vst v0  }
0x4d: {  	[tilespmem:s12+$0xFFFFFFD0] =	vst v0  }
.LBB2_4:
0x4e: {  	v2 =	vld [tilespmem:s8+$0xFFFFFFE0];
	_ =	sdelay $0x4  }
0x4f: {  	v3 =	vshra.s32 v2, $0x1F  }
0x50: {  	v2 =	vxor.u32 v2, v3  }
0x51: {  	v2 =	vand.u32 $0x7FF, v2  }
0x52: {  	(xrf1) =	vunique.msk.u32 $0xffff, v2;
	_ =	sdelay $0xd  }
0x53: {  	v3 =	vld.idx.msk [tilespmem:v2+s13+$0x0], $0xffff;
	_, v4, vm0 =	vpop (xrf1);
	_ =	sdelay $0x4  }
0x54: {  	v3 =	vadd.s32 v3, v4  }
0x55: {  	[tilespmem:v2+s13+$0x0] =	vst.idx.msk vm0, v3  }
0x56: {  	v2 =	vld [tilespmem:s8+$0xFFFFFFF0];
	_ =	sdelay $0x4  }
0x57: {  	v3 =	vshra.s32 v2, $0x1F  }
0x58: {  	v2 =	vxor.u32 v2, v3  }
0x59: {  	v2 =	vand.u32 $0x7FF, v2  }
0x5a: {  	(xrf1) =	vunique.msk.u32 $0xffff, v2;
	_ =	sdelay $0xd  }
0x5b: {  	v3 =	vld.idx.msk [tilespmem:v2+s13+$0x0], $0xffff;
	_, v61, vm13 =	vpop (xrf1);
	_ =	sdelay $0x4  }
0x5c: {  	v3 =	vadd.s32 v3, v61  }
0x5d: {  	[tilespmem:v2+s13+$0x0] =	vst.idx.msk vm13, v3  }
0x5e: {  	v2 =	vld [tilespmem:s8+$0x0];
	_ =	sdelay $0x4  }
0x5f: {  	v3 =	vshra.s32 v2, $0x1F  }
0x60: {  	v2 =	vxor.u32 v2, v3  }
0x61: {  	v2 =	vand.u32 $0x7FF, v2  }
0x62: {  	(xrf1) =	vunique.msk.u32 $0xffff, v2;
	_ =	sdelay $0xd  }
0x63: {  	v3 =	vld.idx.msk [tilespmem:v2+s13+$0x0], $0xffff;
	_, v62, vm14 =	vpop (xrf1);
	_ =	sdelay $0x4  }
0x64: {  	v3 =	vadd.s32 v3, v62  }
0x65: {  	[tilespmem:v2+s13+$0x0] =	vst.idx.msk vm14, v3  }
0x66: {  	v2 =	vld [tilespmem:s8+$0x10];
	_ =	sdelay $0x4  }
0x67: {  	v3 =	vshra.s32 v2, $0x1F  }
0x68: {  	v2 =	vxor.u32 v2, v3  }
0x69: {  	v2 =	vand.u32 $0x7FF, v2  }
0x6a: {  	(xrf1) =	vunique.msk.u32 $0xffff, v2;
	_ =	sdelay $0xd  }
0x6b: {  	s9 =	sadd.s32 $0x4, s9;
	v3 =	vld.idx.msk [tilespmem:v2+s13+$0x0], $0xffff;
	_, v63, vm15 =	vpop (xrf1)  }
0x6c: {  	p0 =	slt.u32 s9, $0xFC  }
.Ltmp3:
0x6d: {  	_ = 	snop;
	(pc) =	sbr.rel @p0 .LBB2_4-.Ltmp3, $3  }
0x6e: {  	_ =	sdelay $0x1  }
0x6f: {  	v3 =	vadd.s32 v3, v63  }
0x70: {  	s4 =	simm.s32 $0x0;
	s24 =	simm.s32 $0x5010;
	s8 =	sadd.s32 $0x40, s8;
	[tilespmem:v2+s13+$0x0] =	vst.idx.msk vm15, v3  }
0x71: {  	v3 =	vld [tilespmem:s24+$0xFFFFFFF0];
	_ =	sdelay $0x4  }
0x72: {  	(xrf0) =	vadd.scan.msk.s32 $0xffff, v3;
	_ =	sdelay $0x2  }
0x73: {  	v2 =	vld [tilespmem:s24+$0x0];
	_ =	sdelay $0x2  }
0x74: {  	v4, _, _ =	vpop (xrf0)  }
0x75: {  	(v2sf) =	vpush v4, $0xF  }
0x76: {  	(xrf0) =	vadd.scan.msk.s32 $0xffff, v2;
	_ =	sdelay $0x5  }
0x77: {  	s8 =	simm.s32 $0x5030;
	v5, _, _ =	vpop (xrf0)  }
0x78: {  	(v2sf) =	vpush v5, $0xF;
	v5 =	vsub.s32 v5, v2;
	v2 =	vld [tilespmem:s8+$0xFFFFFFF0];
	_ =	sdelay $0x4  }
0x79: {  	(xrf0) =	vadd.scan.msk.s32 $0xffff, v2;
	_ =	sdelay $0x1  }
0x7a: {  	v3 =	vsub.s32 s4, v3;
	s9 =	spop (v2sf)  }
0x7b: {  	v3 =	vadd.s32 v4, v3;
	s12 =	sadd.s32 $0x0, s9  }
0x7c: {  	v5 =	vadd.s32 s12, v5  }
0x7d: {  	[tilespmem:s24+$0x0] =	vst v5  }
0x7e: {  	v5 =	vld [tilespmem:s8+$0x0];
	[tilespmem:s24+$0xFFFFFFF0] =	vst v3;
	v3, _, _ =	vpop (xrf0)  }
0x7f: {  	(v2sf) =	vpush v3, $0xF;
	_ =	sdelay $0x2  }
0x80: {  	s9 =	simm.s32 $0x5050  }
0x81: {  	v4 =	vld [tilespmem:s9+$0xFFFFFFF0];
	_ =	sdelay $0x3  }
0x82: {  	(xrf0) =	vadd.scan.msk.s32 $0xffff, v5  }
0x83: {  	(xrf0) =	vadd.scan.msk.s32 $0xffff, v4;
	_ =	sdelay $0x4  }
0x84: {  	s4 =	spop (v2sf);
	s24 =	simm.s32 $0x4;
	v6, _, _ =	vpop (xrf0)  }
.LBB2_6:
0x85: {  	s24 =	sadd.s32 $0x2, s24;
	v7, _, _ =	vpop (xrf0);
	s30 =	spop (v2sf);
	(v2sf) =	vpush v6, $0xF;
	s4 =	sadd.s32 s12, s4  }
0x86: {  	v5 =	vsub.s32 v6, v5;
	p0 =	slt.u32 s24, $0x7E;
	(v2sf) =	vpush v7, $0xF;
	v8 =	vsub.s32 s4, v2;
	s12 =	sadd.s32 s4, s30;
	v2 =	vmovc v4  }
0x87: {  	v4 =	vadd.s32 v3, v8;
	v5 =	vadd.s32 s12, v5;
	v3 =	vmov v7  }
0x88: {  	[tilespmem:s8+$0x0] =	vst v5  }
0x89: {  	v5 =	vld [tilespmem:s9+$0x0];
	[tilespmem:s8+$0xFFFFFFF0] =	vst v4;
	s8 =	smov.u32 s9;
	s9 =	sadd.s32 $0x20, s9  }
0x8a: {  	v4 =	vld [tilespmem:s9+$0xFFFFFFF0];
	_ =	sdelay $0x3  }
0x8b: {  	(xrf0) =	vadd.scan.msk.s32 $0xffff, v5  }
0x8c: {  	(xrf0) =	vadd.scan.msk.s32 $0xffff, v4  }
.Ltmp4:
0x8d: {  	(pc) =	sbr.rel @p0 .LBB2_6-.Ltmp4, $2  }
0x8e: {  	_ =	sdelay $0x2  }
0x8f: {  	v6, _, _ =	vpop (xrf0);
	s4 =	spop (v2sf)  }
0x90: {  	s24 =	spop (v2sf);
	s4 =	sadd.s32 s12, s4  }
0x91: {  	v5 =	vsub.s32 v6, v5;
	s12 =	sadd.s32 s4, s24  }
0x92: {  	v5 =	vadd.s32 s12, v5  }
0x93: {  	[tilespmem:s8+$0x0] =	vst v5  }
0x94: {  	v5 =	vld [tilespmem:s9+$0x0];
	_ =	sdelay $0x4  }
0x95: {  	(xrf0) =	vadd.scan.msk.s32 $0xffff, v5;
	_ =	sdelay $0x1  }
0x96: {  	v7, _, _ =	vpop (xrf0);
	(v2sf) =	vpush v6, $0xF  }
0x97: {  	(v2sf) =	vpush v7, $0xF;
	_ =	sdelay $0x2  }
0x98: {  	v63, _, _ =	vpop (xrf0)  }
0x99: {  	(v2sf) =	vpush v63, $0xF;
	_ =	sdelay $0x9  }
0x9a: {  	s19 =	spop (v2sf)  }
0x9b: {  	v2 =	vsub.s32 s4, v2;
	s21 =	spop (v2sf);
	s12 =	sadd.s32 s12, s19  }
0x9c: {  	v2 =	vadd.s32 v3, v2;
	v3 =	vsub.s32 v63, v5;
	s4 =	sadd.s32 s12, s21  }
0x9d: {  	[tilespmem:s8+$0xFFFFFFF0] =	vst v2;
	v2 =	vsub.s32 s12, v4;
	v3 =	vadd.s32 s4, v3  }
0x9e: {  	s8 =	simm.s32 $0xFFFFFFFC;
	v2 =	vadd.s32 v7, v2;
	[tilespmem:s9+$0x0] =	vst v3  }
0x9f: {  	s12 =	rddreg [dreg:$0x7];
	[tilespmem:s9+$0xFFFFFFF0] =	vst v2;
	s9 =	simm.s32 $0x20;
	s30 =	spop (v2sf)  }
.LBB2_8:
0xa0: {  	v2 =	vld [tilespmem:s9+$0xFFFFFFE0];
	_ =	sdelay $0x4  }
0xa1: {  	v3 =	vshra.s32 v2, $0x1F  }
0xa2: {  	v3 =	vor.u32 $0x80000000, v3  }
0xa3: {  	v2 =	vxor.u32 v2, v3  }
0xa4: {  	v3 =	vand.u32 $0x7FF, v2  }
0xa5: {  	(xrf1) =	vunique.msk.u32 $0xffff, v3;
	_ =	sdelay $0x9  }
0xa6: {  	v4 =	vld.idx.msk [tilespmem:v3+s13+$0x0], $0xffff;
	_ =	sdelay $0x3  }
0xa7: {  	_, v5, vm0 =	vpop (xrf1)  }
0xa8: {  	v4 =	vadd.s32 v4, v5  }
0xa9: {  	v5 =	vadd.s32 $0xFFFFFFFF, v4;
	_ =	sdelay $0x3  }
0xaa: {  	s4 =	sadd.s32 $0xFFFFFFD0, s12  }
0xab: {  	v6 =	vor.u32 s4, v1;
	[tilespmem:v5+s14+$0x0] =	vst.idx.msk $0xffff, v2  }
0xac: {  	[tilespmem:v5+s15+$0x0] =	vst.idx.msk $0xffff, v6  }
0xad: {  	[tilespmem:v3+s13+$0x0] =	vst.idx.msk vm0, v4  }
0xae: {  	v2 =	vld [tilespmem:s9+$0xFFFFFFF0];
	_ =	sdelay $0x4  }
0xaf: {  	v3 =	vshra.s32 v2, $0x1F  }
0xb0: {  	v3 =	vor.u32 $0x80000000, v3  }
0xb1: {  	v2 =	vxor.u32 v2, v3  }
0xb2: {  	v3 =	vand.u32 $0x7FF, v2  }
0xb3: {  	(xrf1) =	vunique.msk.u32 $0xffff, v3;
	_ =	sdelay $0x9  }
0xb4: {  	v4 =	vld.idx.msk [tilespmem:v3+s13+$0x0], $0xffff;
	_ =	sdelay $0x3  }
0xb5: {  	_, v58, vm13 =	vpop (xrf1)  }
0xb6: {  	v4 =	vadd.s32 v4, v58  }
0xb7: {  	v5 =	vadd.s32 $0xFFFFFFFF, v4;
	_ =	sdelay $0x3  }
0xb8: {  	s24 =	sadd.s32 $0xFFFFFFE0, s12  }
0xb9: {  	v59 =	vor.u32 s24, v1;
	[tilespmem:v5+s14+$0x0] =	vst.idx.msk $0xffff, v2  }
0xba: {  	[tilespmem:v5+s15+$0x0] =	vst.idx.msk $0xffff, v59  }
0xbb: {  	[tilespmem:v3+s13+$0x0] =	vst.idx.msk vm13, v4  }
0xbc: {  	v2 =	vld [tilespmem:s9+$0x0];
	_ =	sdelay $0x4  }
0xbd: {  	v3 =	vshra.s32 v2, $0x1F  }
0xbe: {  	v3 =	vor.u32 $0x80000000, v3  }
0xbf: {  	v2 =	vxor.u32 v2, v3  }
0xc0: {  	v3 =	vand.u32 $0x7FF, v2  }
0xc1: {  	(xrf1) =	vunique.msk.u32 $0xffff, v3;
	_ =	sdelay $0x9  }
0xc2: {  	v4 =	vld.idx.msk [tilespmem:v3+s13+$0x0], $0xffff;
	_ =	sdelay $0x3  }
0xc3: {  	_, v60, vm14 =	vpop (xrf1)  }
0xc4: {  	v4 =	vadd.s32 v4, v60  }
0xc5: {  	v5 =	vadd.s32 $0xFFFFFFFF, v4;
	_ =	sdelay $0x3  }
0xc6: {  	s30 =	sadd.s32 $0xFFFFFFF0, s12  }
0xc7: {  	v61 =	vor.u32 s30, v1;
	[tilespmem:v5+s14+$0x0] =	vst.idx.msk $0xffff, v2  }
0xc8: {  	[tilespmem:v5+s15+$0x0] =	vst.idx.msk $0xffff, v61  }
0xc9: {  	[tilespmem:v3+s13+$0x0] =	vst.idx.msk vm14, v4  }
0xca: {  	v2 =	vld [tilespmem:s9+$0x10];
	_ =	sdelay $0x4  }
0xcb: {  	v3 =	vshra.s32 v2, $0x1F  }
0xcc: {  	v3 =	vor.u32 $0x80000000, v3  }
0xcd: {  	v2 =	vxor.u32 v2, v3  }
0xce: {  	v3 =	vand.u32 $0x7FF, v2  }
0xcf: {  	(xrf1) =	vunique.msk.u32 $0xffff, v3;
	_ =	sdelay $0x9  }
0xd0: {  	v4 =	vld.idx.msk [tilespmem:v3+s13+$0x0], $0xffff;
	_ =	sdelay $0x3  }
0xd1: {  	_, v62, vm15 =	vpop (xrf1)  }
0xd2: {  	v4 =	vadd.s32 v4, v62  }
0xd3: {  	v5 =	vadd.s32 $0xFFFFFFFF, v4  }
0xd4: {  	s8 =	sadd.s32 $0x4, s8  }
0xd5: {  	p0 =	slt.u32 s8, $0xFC  }
.Ltmp5:
0xd6: {  	_ = 	snop;
	(pc) =	sbr.rel @p0 .LBB2_8-.Ltmp5, $4  }
0xd7: {  	_ = 	snop  }
0xd8: {  	v63 =	vor.u32 s12, v1;
	[tilespmem:v5+s14+$0x0] =	vst.idx.msk $0xffff, v2  }
0xd9: {  	s12 =	sadd.s32 $0x40, s12;
	[tilespmem:v5+s15+$0x0] =	vst.idx.msk $0xffff, v63  }
0xda: {  	s4 =	simm.s32 $0xFFFFFFF8;
	s24 =	simm.s32 $0x5040;
	s9 =	sadd.s32 $0x40, s9;
	[tilespmem:v3+s13+$0x0] =	vst.idx.msk vm15, v4  }
0xdb: {  	[tilespmem:s24+$0xFFFFFFC0] =	vst v0  }
0xdc: {  	[tilespmem:s24+$0x30] =	vst v0  }
0xdd: {  	[tilespmem:s24+$0x20] =	vst v0  }
0xde: {  	[tilespmem:s24+$0x10] =	vst v0  }
0xdf: {  	[tilespmem:s24+$0x0] =	vst v0  }
0xe0: {  	[tilespmem:s24+$0xFFFFFFF0] =	vst v0  }
0xe1: {  	s9 =	sadd.s32 $0x8, s4;
	[tilespmem:s24+$0xFFFFFFE0] =	vst v0;
	s8 =	simm.s32 $0x3020  }
.LBB2_10:
0xe2: {  	s9 =	sadd.s32 $0x8, s9;
	[tilespmem:s24+$0xFFFFFFD0] =	vst v0;
	s24 =	sadd.s32 $0x80, s24  }
0xe3: {  	[tilespmem:s24+$0xFFFFFFC0] =	vst v0;
	p0 =	slt.u32 s9, $0x78  }
0xe4: {  	[tilespmem:s24+$0x30] =	vst v0  }
.Ltmp6:
0xe5: {  	[tilespmem:s24+$0x20] =	vst v0;
	(pc) =	sbr.rel @p0 .LBB2_10-.Ltmp6, $4  }
0xe6: {  	[tilespmem:s24+$0x10] =	vst v0  }
0xe7: {  	[tilespmem:s24+$0x0] =	vst v0  }
0xe8: {  	[tilespmem:s24+$0xFFFFFFF0] =	vst v0  }
0xe9: {  	[tilespmem:s24+$0xFFFFFFE0] =	vst v0  }
0xea: {  	[tilespmem:s24+$0xFFFFFFD0] =	vst v0;
	s9 =	simm.s32 $0xFFFFFFFC  }
.LBB2_12:
0xeb: {  	v2 =	vld [tilespmem:s8+$0xFFFFFFE0];
	_ =	sdelay $0x4  }
0xec: {  	v2 =	vshrl.u32 v2, $0xB  }
0xed: {  	v2 =	vand.u32 $0x7FF, v2  }
0xee: {  	(xrf1) =	vunique.msk.u32 $0xffff, v2;
	_ =	sdelay $0xd  }
0xef: {  	v3 =	vld.idx.msk [tilespmem:v2+s13+$0x0], $0xffff;
	_, v4, vm0 =	vpop (xrf1);
	_ =	sdelay $0x4  }
0xf0: {  	v3 =	vadd.s32 v3, v4  }
0xf1: {  	[tilespmem:v2+s13+$0x0] =	vst.idx.msk vm0, v3  }
0xf2: {  	v2 =	vld [tilespmem:s8+$0xFFFFFFF0];
	_ =	sdelay $0x4  }
0xf3: {  	v2 =	vshrl.u32 v2, $0xB  }
0xf4: {  	v2 =	vand.u32 $0x7FF, v2  }
0xf5: {  	(xrf1) =	vunique.msk.u32 $0xffff, v2;
	_ =	sdelay $0xd  }
0xf6: {  	v3 =	vld.idx.msk [tilespmem:v2+s13+$0x0], $0xffff;
	_, v61, vm13 =	vpop (xrf1);
	_ =	sdelay $0x4  }
0xf7: {  	v3 =	vadd.s32 v3, v61  }
0xf8: {  	[tilespmem:v2+s13+$0x0] =	vst.idx.msk vm13, v3  }
0xf9: {  	v2 =	vld [tilespmem:s8+$0x0];
	_ =	sdelay $0x4  }
0xfa: {  	v2 =	vshrl.u32 v2, $0xB  }
0xfb: {  	v2 =	vand.u32 $0x7FF, v2  }
0xfc: {  	(xrf1) =	vunique.msk.u32 $0xffff, v2;
	_ =	sdelay $0xd  }
0xfd: {  	v3 =	vld.idx.msk [tilespmem:v2+s13+$0x0], $0xffff;
	_, v62, vm14 =	vpop (xrf1);
	_ =	sdelay $0x4  }
0xfe: {  	v3 =	vadd.s32 v3, v62  }
0xff: {  	[tilespmem:v2+s13+$0x0] =	vst.idx.msk vm14, v3  }
0x100: {  	v2 =	vld [tilespmem:s8+$0x10];
	_ =	sdelay $0x4  }
0x101: {  	v2 =	vshrl.u32 v2, $0xB  }
0x102: {  	v2 =	vand.u32 $0x7FF, v2  }
0x103: {  	(xrf1) =	vunique.msk.u32 $0xffff, v2;
	_ =	sdelay $0xd  }
0x104: {  	s9 =	sadd.s32 $0x4, s9;
	v3 =	vld.idx.msk [tilespmem:v2+s13+$0x0], $0xffff;
	_, v63, vm15 =	vpop (xrf1)  }
0x105: {  	p0 =	slt.u32 s9, $0xFC  }
.Ltmp7:
0x106: {  	_ = 	snop;
	(pc) =	sbr.rel @p0 .LBB2_12-.Ltmp7, $3  }
0x107: {  	_ =	sdelay $0x1  }
0x108: {  	v3 =	vadd.s32 v3, v63  }
0x109: {  	s4 =	simm.s32 $0x0;
	s24 =	simm.s32 $0x5010;
	s8 =	sadd.s32 $0x40, s8;
	[tilespmem:v2+s13+$0x0] =	vst.idx.msk vm15, v3  }
0x10a: {  	v3 =	vld [tilespmem:s24+$0xFFFFFFF0];
	_ =	sdelay $0x4  }
0x10b: {  	(xrf0) =	vadd.scan.msk.s32 $0xffff, v3;
	_ =	sdelay $0x2  }
0x10c: {  	v2 =	vld [tilespmem:s24+$0x0];
	_ =	sdelay $0x2  }
0x10d: {  	v4, _, _ =	vpop (xrf0)  }
0x10e: {  	(v2sf) =	vpush v4, $0xF  }
0x10f: {  	(xrf0) =	vadd.scan.msk.s32 $0xffff, v2;
	_ =	sdelay $0x5  }
0x110: {  	s8 =	simm.s32 $0x5030;
	v5, _, _ =	vpop (xrf0)  }
0x111: {  	(v2sf) =	vpush v5, $0xF;
	v5 =	vsub.s32 v5, v2;
	v2 =	vld [tilespmem:s8+$0xFFFFFFF0];
	_ =	sdelay $0x4  }
0x112: {  	(xrf0) =	vadd.scan.msk.s32 $0xffff, v2;
	_ =	sdelay $0x1  }
0x113: {  	v3 =	vsub.s32 s4, v3;
	s9 =	spop (v2sf)  }
0x114: {  	v3 =	vadd.s32 v4, v3;
	s12 =	sadd.s32 $0x0, s9  }
0x115: {  	v5 =	vadd.s32 s12, v5  }
0x116: {  	[tilespmem:s24+$0x0] =	vst v5  }
0x117: {  	v5 =	vld [tilespmem:s8+$0x0];
	[tilespmem:s24+$0xFFFFFFF0] =	vst v3;
	v3, _, _ =	vpop (xrf0)  }
0x118: {  	(v2sf) =	vpush v3, $0xF;
	_ =	sdelay $0x2  }
0x119: {  	s9 =	simm.s32 $0x5050  }
0x11a: {  	v4 =	vld [tilespmem:s9+$0xFFFFFFF0];
	_ =	sdelay $0x3  }
0x11b: {  	(xrf0) =	vadd.scan.msk.s32 $0xffff, v5  }
0x11c: {  	(xrf0) =	vadd.scan.msk.s32 $0xffff, v4;
	_ =	sdelay $0x4  }
0x11d: {  	s4 =	spop (v2sf);
	s24 =	simm.s32 $0x4;
	v6, _, _ =	vpop (xrf0)  }
.LBB2_14:
0x11e: {  	s24 =	sadd.s32 $0x2, s24;
	v7, _, _ =	vpop (xrf0);
	s30 =	spop (v2sf);
	(v2sf) =	vpush v6, $0xF;
	s4 =	sadd.s32 s12, s4  }
0x11f: {  	v5 =	vsub.s32 v6, v5;
	p0 =	slt.u32 s24, $0x7E;
	(v2sf) =	vpush v7, $0xF;
	v8 =	vsub.s32 s4, v2;
	s12 =	sadd.s32 s4, s30;
	v2 =	vmovc v4  }
0x120: {  	v4 =	vadd.s32 v3, v8;
	v5 =	vadd.s32 s12, v5;
	v3 =	vmov v7  }
0x121: {  	[tilespmem:s8+$0x0] =	vst v5  }
0x122: {  	v5 =	vld [tilespmem:s9+$0x0];
	[tilespmem:s8+$0xFFFFFFF0] =	vst v4;
	s8 =	smov.u32 s9;
	s9 =	sadd.s32 $0x20, s9  }
0x123: {  	v4 =	vld [tilespmem:s9+$0xFFFFFFF0];
	_ =	sdelay $0x3  }
0x124: {  	(xrf0) =	vadd.scan.msk.s32 $0xffff, v5  }
0x125: {  	(xrf0) =	vadd.scan.msk.s32 $0xffff, v4  }
.Ltmp8:
0x126: {  	(pc) =	sbr.rel @p0 .LBB2_14-.Ltmp8, $2  }
0x127: {  	_ =	sdelay $0x2  }
0x128: {  	v6, _, _ =	vpop (xrf0);
	s4 =	spop (v2sf)  }
0x129: {  	s24 =	spop (v2sf);
	s4 =	sadd.s32 s12, s4  }
0x12a: {  	v5 =	vsub.s32 v6, v5;
	s12 =	sadd.s32 s4, s24  }
0x12b: {  	v5 =	vadd.s32 s12, v5  }
0x12c: {  	[tilespmem:s8+$0x0] =	vst v5  }
0x12d: {  	v5 =	vld [tilespmem:s9+$0x0];
	_ =	sdelay $0x4  }
0x12e: {  	(xrf0) =	vadd.scan.msk.s32 $0xffff, v5;
	_ =	sdelay $0x1  }
0x12f: {  	v7, _, _ =	vpop (xrf0);
	(v2sf) =	vpush v6, $0xF  }
0x130: {  	(v2sf) =	vpush v7, $0xF;
	_ =	sdelay $0x2  }
0x131: {  	v63, _, _ =	vpop (xrf0)  }
0x132: {  	(v2sf) =	vpush v63, $0xF;
	_ =	sdelay $0x9  }
0x133: {  	s19 =	spop (v2sf)  }
0x134: {  	v2 =	vsub.s32 s4, v2;
	s21 =	spop (v2sf);
	s12 =	sadd.s32 s12, s19  }
0x135: {  	v2 =	vadd.s32 v3, v2;
	v3 =	vsub.s32 v63, v5;
	s4 =	sadd.s32 s12, s21  }
0x136: {  	[tilespmem:s8+$0xFFFFFFF0] =	vst v2;
	v2 =	vsub.s32 s12, v4;
	v3 =	vadd.s32 s4, v3  }
0x137: {  	s8 =	simm.s32 $0x3020;
	v2 =	vadd.s32 v7, v2;
	[tilespmem:s9+$0x0] =	vst v3  }
0x138: {  	s12 =	simm.s32 $0x4020;
	[tilespmem:s9+$0xFFFFFFF0] =	vst v2;
	s9 =	simm.s32 $0xFFFFFFFC;
	s30 =	spop (v2sf)  }
.LBB2_16:
0x139: {  	v2 =	vld [tilespmem:s8+$0xFFFFFFE0];
	_ =	sdelay $0x4  }
0x13a: {  	v3 =	vshrl.u32 v2, $0xB  }
0x13b: {  	v3 =	vand.u32 $0x7FF, v3  }
0x13c: {  	(xrf1) =	vunique.msk.u32 $0xffff, v3;
	_ =	sdelay $0x9  }
0x13d: {  	v4 =	vld.idx.msk [tilespmem:v3+s13+$0x0], $0xffff;
	_ =	sdelay $0x3  }
0x13e: {  	_, v5, vm0 =	vpop (xrf1)  }
0x13f: {  	v4 =	vadd.s32 v4, v5  }
0x140: {  	v5 =	vadd.s32 $0xFFFFFFFF, v4  }
0x141: {  	v6 =	vld [tilespmem:s12+$0xFFFFFFE0];
	_ =	sdelay $0x3  }
0x142: {  	[tilespmem:v5+s16+$0x0] =	vst.idx.msk $0xffff, v2  }
0x143: {  	[tilespmem:v5+s17+$0x0] =	vst.idx.msk $0xffff, v6  }
0x144: {  	[tilespmem:v3+s13+$0x0] =	vst.idx.msk vm0, v4  }
0x145: {  	v2 =	vld [tilespmem:s8+$0xFFFFFFF0];
	_ =	sdelay $0x4  }
0x146: {  	v3 =	vshrl.u32 v2, $0xB  }
0x147: {  	v3 =	vand.u32 $0x7FF, v3  }
0x148: {  	(xrf1) =	vunique.msk.u32 $0xffff, v3;
	_ =	sdelay $0x9  }
0x149: {  	v4 =	vld.idx.msk [tilespmem:v3+s13+$0x0], $0xffff;
	_ =	sdelay $0x3  }
0x14a: {  	_, v61, vm13 =	vpop (xrf1)  }
0x14b: {  	v4 =	vadd.s32 v4, v61  }
0x14c: {  	v5 =	vadd.s32 $0xFFFFFFFF, v4  }
0x14d: {  	v6 =	vld [tilespmem:s12+$0xFFFFFFF0];
	_ =	sdelay $0x3  }
0x14e: {  	[tilespmem:v5+s16+$0x0] =	vst.idx.msk $0xffff, v2  }
0x14f: {  	[tilespmem:v5+s17+$0x0] =	vst.idx.msk $0xffff, v6  }
0x150: {  	[tilespmem:v3+s13+$0x0] =	vst.idx.msk vm13, v4  }
0x151: {  	v2 =	vld [tilespmem:s8+$0x0];
	_ =	sdelay $0x4  }
0x152: {  	v3 =	vshrl.u32 v2, $0xB  }
0x153: {  	v3 =	vand.u32 $0x7FF, v3  }
0x154: {  	(xrf1) =	vunique.msk.u32 $0xffff, v3;
	_ =	sdelay $0x9  }
0x155: {  	v4 =	vld.idx.msk [tilespmem:v3+s13+$0x0], $0xffff;
	_ =	sdelay $0x3  }
0x156: {  	_, v62, vm14 =	vpop (xrf1)  }
0x157: {  	v4 =	vadd.s32 v4, v62  }
0x158: {  	v5 =	vadd.s32 $0xFFFFFFFF, v4  }
0x159: {  	v6 =	vld [tilespmem:s12+$0x0];
	_ =	sdelay $0x3  }
0x15a: {  	[tilespmem:v5+s16+$0x0] =	vst.idx.msk $0xffff, v2  }
0x15b: {  	[tilespmem:v5+s17+$0x0] =	vst.idx.msk $0xffff, v6  }
0x15c: {  	[tilespmem:v3+s13+$0x0] =	vst.idx.msk vm14, v4  }
0x15d: {  	v2 =	vld [tilespmem:s8+$0x10];
	_ =	sdelay $0x4  }
0x15e: {  	v3 =	vshrl.u32 v2, $0xB  }
0x15f: {  	v3 =	vand.u32 $0x7FF, v3  }
0x160: {  	(xrf1) =	vunique.msk.u32 $0xffff, v3;
	_ =	sdelay $0x9  }
0x161: {  	v4 =	vld.idx.msk [tilespmem:v3+s13+$0x0], $0xffff;
	_ =	sdelay $0x3  }
0x162: {  	_, v63, vm15 =	vpop (xrf1)  }
0x163: {  	v4 =	vadd.s32 v4, v63  }
0x164: {  	v5 =	vadd.s32 $0xFFFFFFFF, v4  }
0x165: {  	s9 =	sadd.s32 $0x4, s9;
	v6 =	vld [tilespmem:s12+$0x10]  }
0x166: {  	p0 =	slt.u32 s9, $0xFC  }
.Ltmp9:
0x167: {  	_ = 	snop;
	(pc) =	sbr.rel @p0 .LBB2_16-.Ltmp9, $4  }
0x168: {  	_ = 	snop  }
0x169: {  	[tilespmem:v5+s16+$0x0] =	vst.idx.msk $0xffff, v2  }
0x16a: {  	s4 =	simm.s32 $0xFFFFFFF8;
	[tilespmem:v5+s17+$0x0] =	vst.idx.msk $0xffff, v6  }
0x16b: {  	s24 =	simm.s32 $0x5040;
	s12 =	sadd.s32 $0x40, s12;
	s8 =	sadd.s32 $0x40, s8;
	[tilespmem:v3+s13+$0x0] =	vst.idx.msk vm15, v4  }
0x16c: {  	[tilespmem:s24+$0xFFFFFFC0] =	vst v0  }
0x16d: {  	[tilespmem:s24+$0x30] =	vst v0  }
0x16e: {  	[tilespmem:s24+$0x20] =	vst v0  }
0x16f: {  	[tilespmem:s24+$0x10] =	vst v0  }
0x170: {  	[tilespmem:s24+$0x0] =	vst v0  }
0x171: {  	[tilespmem:s24+$0xFFFFFFF0] =	vst v0  }
0x172: {  	s9 =	sadd.s32 $0x8, s4;
	[tilespmem:s24+$0xFFFFFFE0] =	vst v0;
	s8 =	simm.s32 $0x1020  }
.LBB2_18:
0x173: {  	s9 =	sadd.s32 $0x8, s9;
	[tilespmem:s24+$0xFFFFFFD0] =	vst v0;
	s24 =	sadd.s32 $0x80, s24  }
0x174: {  	[tilespmem:s24+$0xFFFFFFC0] =	vst v0;
	p0 =	slt.u32 s9, $0x78  }
0x175: {  	[tilespmem:s24+$0x30] =	vst v0  }
.Ltmp10:
0x176: {  	[tilespmem:s24+$0x20] =	vst v0;
	(pc) =	sbr.rel @p0 .LBB2_18-.Ltmp10, $4  }
0x177: {  	[tilespmem:s24+$0x10] =	vst v0  }
0x178: {  	[tilespmem:s24+$0x0] =	vst v0  }
0x179: {  	[tilespmem:s24+$0xFFFFFFF0] =	vst v0  }
0x17a: {  	[tilespmem:s24+$0xFFFFFFE0] =	vst v0  }
0x17b: {  	[tilespmem:s24+$0xFFFFFFD0] =	vst v0;
	s9 =	simm.s32 $0xFFFFFFFC  }
.LBB2_20:
0x17c: {  	v2 =	vld [tilespmem:s8+$0xFFFFFFE0];
	_ =	sdelay $0x4  }
0x17d: {  	v2 =	vshrl.u32 v2, $0x16  }
0x17e: {  	(xrf1) =	vunique.msk.u32 $0xffff, v2;
	_ =	sdelay $0xd  }
0x17f: {  	v3 =	vld.idx.msk [tilespmem:v2+s13+$0x0], $0xffff;
	_, v4, vm0 =	vpop (xrf1);
	_ =	sdelay $0x4  }
0x180: {  	v3 =	vadd.s32 v3, v4  }
0x181: {  	[tilespmem:v2+s13+$0x0] =	vst.idx.msk vm0, v3  }
0x182: {  	v2 =	vld [tilespmem:s8+$0xFFFFFFF0];
	_ =	sdelay $0x4  }
0x183: {  	v2 =	vshrl.u32 v2, $0x16  }
0x184: {  	(xrf1) =	vunique.msk.u32 $0xffff, v2;
	_ =	sdelay $0xd  }
0x185: {  	v3 =	vld.idx.msk [tilespmem:v2+s13+$0x0], $0xffff;
	_, v61, vm13 =	vpop (xrf1);
	_ =	sdelay $0x4  }
0x186: {  	v3 =	vadd.s32 v3, v61  }
0x187: {  	[tilespmem:v2+s13+$0x0] =	vst.idx.msk vm13, v3  }
0x188: {  	v2 =	vld [tilespmem:s8+$0x0];
	_ =	sdelay $0x4  }
0x189: {  	v2 =	vshrl.u32 v2, $0x16  }
0x18a: {  	(xrf1) =	vunique.msk.u32 $0xffff, v2;
	_ =	sdelay $0xd  }
0x18b: {  	v3 =	vld.idx.msk [tilespmem:v2+s13+$0x0], $0xffff;
	_, v62, vm14 =	vpop (xrf1);
	_ =	sdelay $0x4  }
0x18c: {  	v3 =	vadd.s32 v3, v62  }
0x18d: {  	[tilespmem:v2+s13+$0x0] =	vst.idx.msk vm14, v3  }
0x18e: {  	v2 =	vld [tilespmem:s8+$0x10];
	_ =	sdelay $0x4  }
0x18f: {  	v2 =	vshrl.u32 v2, $0x16  }
0x190: {  	(xrf1) =	vunique.msk.u32 $0xffff, v2;
	_ =	sdelay $0xd  }
0x191: {  	s9 =	sadd.s32 $0x4, s9;
	v3 =	vld.idx.msk [tilespmem:v2+s13+$0x0], $0xffff;
	_, v63, vm15 =	vpop (xrf1)  }
0x192: {  	p0 =	slt.u32 s9, $0xFC  }
.Ltmp11:
0x193: {  	_ = 	snop;
	(pc) =	sbr.rel @p0 .LBB2_20-.Ltmp11, $3  }
0x194: {  	_ =	sdelay $0x1  }
0x195: {  	v3 =	vadd.s32 v3, v63  }
0x196: {  	s4 =	simm.s32 $0x0;
	s24 =	simm.s32 $0x5010;
	s8 =	sadd.s32 $0x40, s8;
	[tilespmem:v2+s13+$0x0] =	vst.idx.msk vm15, v3  }
0x197: {  	v3 =	vld [tilespmem:s24+$0xFFFFFFF0];
	_ =	sdelay $0x4  }
0x198: {  	(xrf0) =	vadd.scan.msk.s32 $0xffff, v3;
	_ =	sdelay $0x2  }
0x199: {  	v2 =	vld [tilespmem:s24+$0x0];
	_ =	sdelay $0x2  }
0x19a: {  	v4, _, _ =	vpop (xrf0)  }
0x19b: {  	(v2sf) =	vpush v4, $0xF  }
0x19c: {  	(xrf0) =	vadd.scan.msk.s32 $0xffff, v2;
	_ =	sdelay $0x5  }
0x19d: {  	s8 =	simm.s32 $0x5030;
	v5, _, _ =	vpop (xrf0)  }
0x19e: {  	(v2sf) =	vpush v5, $0xF;
	v5 =	vsub.s32 v5, v2;
	v2 =	vld [tilespmem:s8+$0xFFFFFFF0];
	_ =	sdelay $0x4  }
0x19f: {  	(xrf0) =	vadd.scan.msk.s32 $0xffff, v2;
	_ =	sdelay $0x1  }
0x1a0: {  	v3 =	vsub.s32 s4, v3;
	s9 =	spop (v2sf)  }
0x1a1: {  	v3 =	vadd.s32 v4, v3;
	s12 =	sadd.s32 $0x0, s9  }
0x1a2: {  	v5 =	vadd.s32 s12, v5  }
0x1a3: {  	[tilespmem:s24+$0x0] =	vst v5  }
0x1a4: {  	v5 =	vld [tilespmem:s8+$0x0];
	[tilespmem:s24+$0xFFFFFFF0] =	vst v3;
	v3, _, _ =	vpop (xrf0)  }
0x1a5: {  	(v2sf) =	vpush v3, $0xF;
	_ =	sdelay $0x2  }
0x1a6: {  	s9 =	simm.s32 $0x5050  }
0x1a7: {  	v4 =	vld [tilespmem:s9+$0xFFFFFFF0];
	_ =	sdelay $0x3  }
0x1a8: {  	(xrf0) =	vadd.scan.msk.s32 $0xffff, v5  }
0x1a9: {  	(xrf0) =	vadd.scan.msk.s32 $0xffff, v4;
	_ =	sdelay $0x4  }
0x1aa: {  	s4 =	spop (v2sf);
	s24 =	simm.s32 $0x4;
	v6, _, _ =	vpop (xrf0)  }
.LBB2_22:
0x1ab: {  	s24 =	sadd.s32 $0x2, s24;
	v7, _, _ =	vpop (xrf0);
	s30 =	spop (v2sf);
	(v2sf) =	vpush v6, $0xF;
	s4 =	sadd.s32 s12, s4  }
0x1ac: {  	v5 =	vsub.s32 v6, v5;
	p0 =	slt.u32 s24, $0x7E;
	(v2sf) =	vpush v7, $0xF;
	v8 =	vsub.s32 s4, v2;
	s12 =	sadd.s32 s4, s30;
	v2 =	vmovc v4  }
0x1ad: {  	v4 =	vadd.s32 v3, v8;
	v5 =	vadd.s32 s12, v5;
	v3 =	vmov v7  }
0x1ae: {  	[tilespmem:s8+$0x0] =	vst v5  }
0x1af: {  	v5 =	vld [tilespmem:s9+$0x0];
	[tilespmem:s8+$0xFFFFFFF0] =	vst v4;
	s8 =	smov.u32 s9;
	s9 =	sadd.s32 $0x20, s9  }
0x1b0: {  	v4 =	vld [tilespmem:s9+$0xFFFFFFF0];
	_ =	sdelay $0x3  }
0x1b1: {  	(xrf0) =	vadd.scan.msk.s32 $0xffff, v5  }
0x1b2: {  	(xrf0) =	vadd.scan.msk.s32 $0xffff, v4  }
.Ltmp12:
0x1b3: {  	(pc) =	sbr.rel @p0 .LBB2_22-.Ltmp12, $2  }
0x1b4: {  	_ =	sdelay $0x2  }
0x1b5: {  	v6, _, _ =	vpop (xrf0);
	s4 =	spop (v2sf)  }
0x1b6: {  	s24 =	spop (v2sf);
	s4 =	sadd.s32 s12, s4  }
0x1b7: {  	v5 =	vsub.s32 v6, v5;
	s12 =	sadd.s32 s4, s24  }
0x1b8: {  	v5 =	vadd.s32 s12, v5  }
0x1b9: {  	[tilespmem:s8+$0x0] =	vst v5  }
0x1ba: {  	v5 =	vld [tilespmem:s9+$0x0];
	_ =	sdelay $0x4  }
0x1bb: {  	(xrf0) =	vadd.scan.msk.s32 $0xffff, v5;
	_ =	sdelay $0x1  }
0x1bc: {  	v7, _, _ =	vpop (xrf0);
	(v2sf) =	vpush v6, $0xF  }
0x1bd: {  	(v2sf) =	vpush v7, $0xF;
	_ =	sdelay $0x2  }
0x1be: {  	v63, _, _ =	vpop (xrf0)  }
0x1bf: {  	(v2sf) =	vpush v63, $0xF;
	_ =	sdelay $0x9  }
0x1c0: {  	s19 =	spop (v2sf)  }
0x1c1: {  	v2 =	vsub.s32 s4, v2;
	s21 =	spop (v2sf);
	s12 =	sadd.s32 s12, s19  }
0x1c2: {  	v2 =	vadd.s32 v3, v2;
	v3 =	vsub.s32 v63, v5;
	s4 =	sadd.s32 s12, s21  }
0x1c3: {  	[tilespmem:s8+$0xFFFFFFF0] =	vst v2;
	v2 =	vsub.s32 s12, v4;
	v3 =	vadd.s32 s4, v3  }
0x1c4: {  	s8 =	simm.s32 $0x1020;
	v2 =	vadd.s32 v7, v2;
	[tilespmem:s9+$0x0] =	vst v3  }
0x1c5: {  	s12 =	simm.s32 $0x2020;
	[tilespmem:s9+$0xFFFFFFF0] =	vst v2;
	s9 =	simm.s32 $0xFFFFFFFC;
	s30 =	spop (v2sf)  }
.LBB2_24:
0x1c6: {  	v2 =	vld [tilespmem:s8+$0xFFFFFFE0];
	_ =	sdelay $0x4  }
0x1c7: {  	v3 =	vshrl.u32 v2, $0x16  }
0x1c8: {  	(xrf1) =	vunique.msk.u32 $0xffff, v3;
	_ =	sdelay $0x9  }
0x1c9: {  	v4 =	vld.idx.msk [tilespmem:v3+s13+$0x0], $0xffff;
	_ =	sdelay $0x3  }
0x1ca: {  	_, v5, vm0 =	vpop (xrf1)  }
0x1cb: {  	v4 =	vadd.s32 v4, v5  }
0x1cc: {  	v5 =	vadd.s32 $0xFFFFFFFF, v4  }
0x1cd: {  	v6 =	vld [tilespmem:s12+$0xFFFFFFE0];
	_ =	sdelay $0x3  }
0x1ce: {  	[tilespmem:v5+s14+$0x0] =	vst.idx.msk $0xffff, v2  }
0x1cf: {  	[tilespmem:v5+s15+$0x0] =	vst.idx.msk $0xffff, v6  }
0x1d0: {  	[tilespmem:v3+s13+$0x0] =	vst.idx.msk vm0, v4  }
0x1d1: {  	v2 =	vld [tilespmem:s8+$0xFFFFFFF0];
	_ =	sdelay $0x4  }
0x1d2: {  	v3 =	vshrl.u32 v2, $0x16  }
0x1d3: {  	(xrf1) =	vunique.msk.u32 $0xffff, v3;
	_ =	sdelay $0x9  }
0x1d4: {  	v4 =	vld.idx.msk [tilespmem:v3+s13+$0x0], $0xffff;
	_ =	sdelay $0x3  }
0x1d5: {  	_, v61, vm13 =	vpop (xrf1)  }
0x1d6: {  	v4 =	vadd.s32 v4, v61  }
0x1d7: {  	v5 =	vadd.s32 $0xFFFFFFFF, v4  }
0x1d8: {  	v6 =	vld [tilespmem:s12+$0xFFFFFFF0];
	_ =	sdelay $0x3  }
0x1d9: {  	[tilespmem:v5+s14+$0x0] =	vst.idx.msk $0xffff, v2  }
0x1da: {  	[tilespmem:v5+s15+$0x0] =	vst.idx.msk $0xffff, v6  }
0x1db: {  	[tilespmem:v3+s13+$0x0] =	vst.idx.msk vm13, v4  }
0x1dc: {  	v2 =	vld [tilespmem:s8+$0x0];
	_ =	sdelay $0x4  }
0x1dd: {  	v3 =	vshrl.u32 v2, $0x16  }
0x1de: {  	(xrf1) =	vunique.msk.u32 $0xffff, v3;
	_ =	sdelay $0x9  }
0x1df: {  	v4 =	vld.idx.msk [tilespmem:v3+s13+$0x0], $0xffff;
	_ =	sdelay $0x3  }
0x1e0: {  	_, v62, vm14 =	vpop (xrf1)  }
0x1e1: {  	v4 =	vadd.s32 v4, v62  }
0x1e2: {  	v5 =	vadd.s32 $0xFFFFFFFF, v4  }
0x1e3: {  	v6 =	vld [tilespmem:s12+$0x0];
	_ =	sdelay $0x3  }
0x1e4: {  	[tilespmem:v5+s14+$0x0] =	vst.idx.msk $0xffff, v2  }
0x1e5: {  	[tilespmem:v5+s15+$0x0] =	vst.idx.msk $0xffff, v6  }
0x1e6: {  	[tilespmem:v3+s13+$0x0] =	vst.idx.msk vm14, v4  }
0x1e7: {  	v2 =	vld [tilespmem:s8+$0x10];
	_ =	sdelay $0x4  }
0x1e8: {  	v3 =	vshrl.u32 v2, $0x16  }
0x1e9: {  	(xrf1) =	vunique.msk.u32 $0xffff, v3;
	_ =	sdelay $0x9  }
0x1ea: {  	v4 =	vld.idx.msk [tilespmem:v3+s13+$0x0], $0xffff;
	_ =	sdelay $0x3  }
0x1eb: {  	_, v63, vm15 =	vpop (xrf1)  }
0x1ec: {  	v4 =	vadd.s32 v4, v63  }
0x1ed: {  	v5 =	vadd.s32 $0xFFFFFFFF, v4  }
0x1ee: {  	s9 =	sadd.s32 $0x4, s9;
	v6 =	vld [tilespmem:s12+$0x10]  }
0x1ef: {  	p0 =	slt.u32 s9, $0xFC  }
.Ltmp13:
0x1f0: {  	_ = 	snop;
	(pc) =	sbr.rel @p0 .LBB2_24-.Ltmp13, $4  }
0x1f1: {  	_ = 	snop  }
0x1f2: {  	[tilespmem:v5+s14+$0x0] =	vst.idx.msk $0xffff, v2  }
0x1f3: {  	[tilespmem:v5+s15+$0x0] =	vst.idx.msk $0xffff, v6  }
0x1f4: {  	s12 =	sadd.s32 $0x40, s12;
	s8 =	sadd.s32 $0x40, s8;
	[tilespmem:v3+s13+$0x0] =	vst.idx.msk vm15, v4  }
0x1f5: {  	s4 =	simm.s32 $0x5800  }
0x1f6: {  	[tilespmem:s4], [sflag:$0x1] =	stream.indirect.gather [hbm4b:s1+s18], $0x80, s15, s18, $0xb8;
	[tilespmem:$0x15800] =	vst v63  }
0x1f7: {  	s21 =	simm.s32 $0x4040;
	s8 =	simm.s32 $0x7800  }
0x1f8: {  	[tilespmem:s8], [sflag:$0x2] =	stream.indirect.gather [hbm4b:s1+s18], $0x80, s21, s18, $0xb8;
	[tilespmem:$0x15800] =	vst v63  }
0x1f9: {  	s24 =	simm.s32 $0x4080  }
0x1fa: {  	[tilespmem:s23], [sflag:$0x3] =	stream.indirect.gather [hbm4b:s1+s18], $0x80, s24, s18, $0xb8;
	[tilespmem:$0x15800] =	vst v63  }
0x1fb: {  	s30 =	simm.s32 $0x40C0;
	s9 =	rddreg [dreg:$0x8];
	s8 =	simm.s32 $0x0  }
0x1fc: {  	[tilespmem:s25], [sflag:$0x4] =	stream.indirect.gather [hbm4b:s1+s18], $0x80, s30, s18, $0xb8;
	[tilespmem:$0x15800] =	vst v63  }
.LBB2_26:
0x1fd: {  	_ =	swait.ge [sflag:s26], $0x2000  }
0x1fe: {  	[sflag:s26] =	ssyncset.done $0x0  }
0x1ff: {  	s4 =	simm.s32 $0x5800;
	p0 =	seq.s32 s8, $0x0;
	[sflag:s26] =	ssyncadd.s32 $0xFFFFE000  }
0x200: {  	[hbm4b:s9+s3] =	stream.linear.scatter [tilespmem:s4], [sflag:$0x9], $0x2000, $0x38;
	[tilespmem:$0x15800] =	vst v63  }
0x201: {  	s4 =	simm.s32 @!p0 $0xD  }
0x202: {  	_ =	swait.ge @!p0 [sflag:s4], $0x2000  }
0x203: {  	s12 =	sshra.s32 s8, $0x2;
	[sflag:s4] =	ssyncset.done @!p0 $0x0  }
0x204: {  	s24 =	sadd.s32 $0x4100, s12;
	[sflag:s4] =	ssyncadd.s32 @!p0 $0xFFFFE000  }
0x205: {  	[tilespmem:s28], [sflag:$0x5] =	stream.indirect.gather [hbm4b:s1+s18], $0x80, s24, s18, $0xb8;
	[tilespmem:$0x15800] =	vst v63  }
0x206: {  	_ =	swait.ge [sflag:s29], $0x2000  }
0x207: {  	s30 =	sadd.s32 $0x400, s9;
	[sflag:s29] =	ssyncset.done $0x0  }
0x208: {  	s19 =	simm.s32 $0x7800;
	s4 =	simm.s32 @!p0 $0xE;
	[sflag:s29] =	ssyncadd.s32 $0xFFFFE000  }
0x209: {  	[hbm4b:s30+s3] =	stream.linear.scatter [tilespmem:s19], [sflag:$0xA], $0x2000, $0x38;
	[tilespmem:$0x15800] =	vst v63  }
0x20a: {  	_ =	swait.ge @!p0 [sflag:s4], $0x2000  }
0x20b: {  	[sflag:s4] =	ssyncset.done @!p0 $0x0  }
0x20c: {  	s21 =	simm.s32 $0xF800;
	s19 =	sadd.s32 $0x4140, s12;
	[sflag:s4] =	ssyncadd.s32 @!p0 $0xFFFFE000  }
0x20d: {  	[tilespmem:s21], [sflag:$0x6] =	stream.indirect.gather [hbm4b:s1+s18], $0x80, s19, s18, $0xb8;
	[tilespmem:$0x15800] =	vst v63  }
0x20e: {  	_ =	swait.ge [sflag:s31], $0x2000  }
0x20f: {  	[sflag:s31] =	ssyncset.done $0x0  }
0x210: {  	s24 =	sadd.s32 $0x800, s9;
	s4 =	simm.s32 @!p0 $0xF;
	[sflag:s31] =	ssyncadd.s32 $0xFFFFE000  }
0x211: {  	[hbm4b:s24+s3] =	stream.linear.scatter [tilespmem:s23], [sflag:$0xB], $0x2000, $0x38;
	[tilespmem:$0x15800] =	vst v63  }
0x212: {  	_ =	swait.ge @!p0 [sflag:s4], $0x2000  }
0x213: {  	[sflag:s4] =	ssyncset.done @!p0 $0x0  }
0x214: {  	s30 =	sadd.s32 $0x4180, s12;
	[sflag:s4] =	ssyncadd.s32 @!p0 $0xFFFFE000  }
0x215: {  	[tilespmem:s2], [sflag:$0x7] =	stream.indirect.gather [hbm4b:s1+s18], $0x80, s30, s18, $0xb8;
	[tilespmem:$0x15800] =	vst v63  }
0x216: {  	_ =	swait.ge [sflag:s0], $0x2000  }
0x217: {  	[sflag:s0] =	ssyncset.done $0x0  }
0x218: {  	s19 =	sadd.s32 $0xC00, s9;
	s4 =	simm.s32 @!p0 $0x10;
	[sflag:s0] =	ssyncadd.s32 $0xFFFFE000  }
0x219: {  	[hbm4b:s19+s3] =	stream.linear.scatter [tilespmem:s25], [sflag:$0xC], $0x2000, $0x38;
	[tilespmem:$0x15800] =	vst v63  }
0x21a: {  	_ =	swait.ge @!p0 [sflag:s4], $0x2000  }
0x21b: {  	[sflag:s4] =	ssyncset.done @!p0 $0x0  }
0x21c: {  	s21 =	sadd.s32 $0x41C0, s12;
	[sflag:s4] =	ssyncadd.s32 @!p0 $0xFFFFE000  }
0x21d: {  	[tilespmem:s10], [sflag:$0x8] =	stream.indirect.gather [hbm4b:s1+s18], $0x80, s21, s18, $0xb8;
	[tilespmem:$0x15800] =	vst v63  }
0x21e: {  	_ =	swait.ge [sflag:s11], $0x2000  }
0x21f: {  	p0 =	seq.s32 s8, $0x3800;
	[sflag:s11] =	ssyncset.done $0x0  }
0x220: {  	s24 =	sadd.s32 $0x1000, s9;
	s4 =	simm.s32 @p0 $0x6;
	[sflag:s11] =	ssyncadd.s32 $0xFFFFE000  }
0x221: {  	[hbm4b:s24+s3] =	stream.linear.scatter [tilespmem:s28], [sflag:$0xD], $0x2000, $0x38;
	[tilespmem:$0x15800] =	vst v63  }
0x222: {  	_ =	swait.ge @p0 [sflag:s4], $0x2000  }
0x223: {  	[sflag:s4] =	ssyncset.done @p0 $0x0  }
0x224: {  	s24 =	simm.s32 @p0 $0xF800;
	[sflag:s4] =	ssyncadd.s32 @p0 $0xFFFFE000;
	s4 =	simm.s32 @p0 $0x0  }
0x225: {  	[hbm4b:s5+s4] =	stream.linear.scatter @p0 [tilespmem:s24], [sflag:$0xE], $0x2000, $0x38;
	[tilespmem:$0x15800] =	vst v63  }
0x226: {  	s4 =	simm.s32 @!p0 $0x9  }
0x227: {  	_ =	swait.ge @!p0 [sflag:s4], $0x2000  }
0x228: {  	[sflag:s4] =	ssyncset.done @!p0 $0x0  }
0x229: {  	[sflag:s4] =	ssyncadd.s32 @!p0 $0xFFFFE000;
	s4 =	sshra.s32 @!p0 s8, $0x2  }
0x22a: {  	s30 =	simm.s32 @!p0 $0x40;
	s19 =	simm.s32 @!p0 $0x5800;
	s24 =	sadd.s32 @!p0 $0x4200, s4  }
0x22b: {  	[tilespmem:s19], [sflag:$0x1] =	stream.indirect.gather @!p0 [hbm4b:s1+s30], $0x80, s24, s30, $0xb8;
	[tilespmem:$0x15800] =	vst v63  }
0x22c: {  	s19 =	simm.s32 @!p0 $0x6  }
0x22d: {  	_ =	swait.ge @!p0 [sflag:s19], $0x2000  }
0x22e: {  	s21 =	simm.s32 @!p0 $0xF800;
	[sflag:s19] =	ssyncset.done @!p0 $0x0  }
0x22f: {  	s24 =	simm.s32 @!p0 $0x0;
	[sflag:s19] =	ssyncadd.s32 @!p0 $0xFFFFE000;
	s19 =	sadd.s32 @!p0 $0x1400, s9  }
0x230: {  	[hbm4b:s19+s24] =	stream.linear.scatter @!p0 [tilespmem:s21], [sflag:$0xE], $0x2000, $0x38;
	[tilespmem:$0x15800] =	vst v63  }
0x231: {  	s19 =	simm.s32 @!p0 $0xA  }
0x232: {  	_ =	swait.ge @!p0 [sflag:s19], $0x2000  }
0x233: {  	[sflag:s19] =	ssyncset.done @!p0 $0x0  }
0x234: {  	s4 =	sadd.s32 @!p0 $0x4240, s4;
	[sflag:s19] =	ssyncadd.s32 @!p0 $0xFFFFE000;
	s19 =	simm.s32 @!p0 $0x7800  }
0x235: {  	[tilespmem:s19], [sflag:$0x2] =	stream.indirect.gather @!p0 [hbm4b:s1+s30], $0x80, s4, s30, $0xb8;
	[tilespmem:$0x15800] =	vst v63  }
.Ltmp14:
0x236: {  	_ = 	snop;
	(pc) =	sbr.rel @p0 .LBB2_28-.Ltmp14, $4  }
0x237: {  	_ =	swait.ge [sflag:s20], $0x2000  }
0x238: {  	[sflag:s20] =	ssyncset.done $0x0  }
0x239: {  	s30 =	sadd.s32 $0x1800, s9;
	[sflag:s20] =	ssyncadd.s32 $0xFFFFE000  }
0x23a: {  	[hbm4b:s30+s3] =	stream.linear.scatter [tilespmem:s2], [sflag:$0xF], $0x2000, $0x38;
	[tilespmem:$0x15800] =	vst v63  }
0x23b: {  	_ =	swait.ge [sflag:s6], $0x2000  }
0x23c: {  	[sflag:s6] =	ssyncset.done $0x0  }
0x23d: {  	s4 =	sadd.s32 $0x4280, s12;
	[sflag:s6] =	ssyncadd.s32 $0xFFFFE000  }
0x23e: {  	[tilespmem:s23], [sflag:$0x3] =	stream.indirect.gather [hbm4b:s1+s18], $0x80, s4, s18, $0xb8;
	[tilespmem:$0x15800] =	vst v63  }
0x23f: {  	_ =	swait.ge [sflag:s22], $0x2000  }
0x240: {  	[sflag:s22] =	ssyncset.done $0x0  }
0x241: {  	s24 =	sadd.s32 $0x1C00, s9;
	[sflag:s22] =	ssyncadd.s32 $0xFFFFE000  }
0x242: {  	[hbm4b:s24+s3] =	stream.linear.scatter [tilespmem:s10], [sflag:$0x10], $0x2000, $0x38;
	[tilespmem:$0x15800] =	vst v63  }
.Ltmp15:
0x243: {  	_ = 	snop;
	(pc) =	sbr.rel .LBB2_26-.Ltmp15, $4  }
0x244: {  	_ =	swait.ge [sflag:s7], $0x2000  }
0x245: {  	s30 =	sadd.s32 $0x42C0, s12;
	[sflag:s7] =	ssyncset.done $0x0  }
0x246: {  	s8 =	sadd.s32 $0x800, s8;
	s9 =	sadd.s32 $0x2000, s9;
	[sflag:s7] =	ssyncadd.s32 $0xFFFFE000  }
0x247: {  	[tilespmem:s25], [sflag:$0x4] =	stream.indirect.gather [hbm4b:s1+s18], $0x80, s30, s18, $0xb8;
	[tilespmem:$0x15800] =	vst v63  }
.LBB2_29:
0x248: {  	_ =	sfence.sel $0x180000  }
0x249: {  	[bflag:$0x0] =	sbarrier.arrive $0xFFFF  }
0x24a: {  	_ =	strace $0x90000047  }
0x24b: {  	s0 =	stileid.u32;
	[bflag:$0x2] =	sbarrier.arrive $0xFFFF  }
0x24c: {  	p0 =	sne.s32 s0, $0x0;
	s0 =	rddreg [dreg:$0x3]  }
0x24d: {  	s0 =	sadd.s32 @!p0 $0x100000, s0  }
0x24e: {  	[sflag:s0] =	ssyncadd.tile.s32 @!p0 $0x1;
	_ =	shalt  }
.Lfunc_end2:
_tile_overlayer_lowered:
.L_overlay_start_2:
0x24f: {  	(tag) =	ssettag $0x2  }
0x250: {  	s0 =	rddreg [dreg:$0x0];
	s2 =	stileid.u32  }
0x251: {  	s1 =	rddreg [dreg:$0x1];
	p0 =	sne.s32 s2, $0x0  }
0x252: {  	s3 =	rddreg [dreg:$0x2];
	[bflag:$0x3] =	sbarrier.arrive $0xFFFF;
	s2 =	simm.s32 @!p0 $0x1C11  }
0x253: {  	[timem:s3], [sflag:s2] =	dma.local @!p0 [hbm:s0], s1  }
0x254: {  	s0 =	simm.s32 @!p0 $0x11  }
0x255: {  	_ =	swait.ge @!p0 [sflag:s0], s1  }
0x256: {  	s1 =	ssub.s32 @!p0 $0x0, s1;
	[sflag:s0] =	ssyncset.done @!p0 $0x0  }
0x257: {  	[sflag:s0] =	ssyncadd.s32 @!p0 s1  }
0x258: {  	[bflag:$0x3] =	sbarrier.arrive $0xFFFF  }
0x259: {  	_ =	shalt  }

</sc_bundles>
